<compile_context>
chip_gen: v7x
topology: tpu7x:2x2x1
jax: 0.10.2.dev20260603
libtpu: 0.0.44.dev20260713+nightly
codegen_flags: <defaults>
</compile_context>

<pallas_src>
import functools

import jax
import jax.numpy as jnp
from jax import lax
from jax.experimental import pallas as pl
from jax.experimental.pallas import tpu as pltpu
from jax.experimental.pallas import tpu_sc as plsc

B = 16384
D = 32
TEXT = 768
NCAT = 20
CAT_ROWS = 1000

NC, NS = 2, 16
NW = NC * NS
BPW = B // NW
ICH = 128
NCHUNK = BPW // ICH
LANES = 16
CGRP = 2


def _gather_body(uid, bid, aid, pid, clbl, utab, btab, atab, ptab, ctab,
                 out_u, out_b, out_a, out_c, out_p,
                 uidx, bidx, aidx, pidx,
                 urows, brows, arows, prows,
                 cidx, ctab_v, cbuf, gsem):
    wid = lax.axis_index("s") * NC + lax.axis_index("c")
    base = wid * BPW

    pltpu.sync_copy(uid.at[wid], uidx)
    pltpu.sync_copy(bid.at[wid], bidx)
    pltpu.sync_copy(aid.at[wid], aidx)
    pltpu.sync_copy(pid.at[wid], pidx)
    pltpu.sync_copy(clbl.at[wid], cidx)
    pltpu.sync_copy(ctab, ctab_v)

    copies = []
    for idx_v, rows_v, tab in ((uidx, urows, utab), (bidx, brows, btab),
                               (aidx, arows, atab), (pidx, prows, ptab)):
        for j in range(NCHUNK):
            copies.append(pltpu.async_copy(
                tab.at[idx_v.at[j]], rows_v.at[pl.ds(j * ICH, ICH)], gsem))

    lane = lax.iota(jnp.int32, LANES)
    inv = jnp.full((LANES,), 1.0 / NCAT, jnp.float32)

    def cat_chunk(k, carry):
        e0 = pl.multiple_of(k * LANES, LANES)
        for g in range(CGRP):
            def j_body(j, acc):
                row = cidx[j, pl.ds(e0, LANES)]
                return tuple(
                    acc[c] + plsc.load_gather(
                        ctab_v,
                        [row, jnp.full((LANES,), g * LANES + c, jnp.int32)])
                    for c in range(LANES))
            acc = lax.fori_loop(
                0, NCAT, j_body,
                tuple(jnp.zeros((LANES,), jnp.float32) for _ in range(LANES)))
            rows16 = e0 + lane
            for c in range(LANES):
                plsc.store_scatter(
                    cbuf,
                    [rows16, jnp.full((LANES,), g * LANES + c, jnp.int32)],
                    acc[c] * inv)
        return carry

    lax.fori_loop(0, BPW // LANES, cat_chunk, 0)

    for cp in copies:
        cp.wait()

    pltpu.sync_copy(urows, out_u.at[pl.ds(base, BPW)])
    pltpu.sync_copy(brows, out_b.at[pl.ds(base, BPW)])
    pltpu.sync_copy(arows, out_a.at[pl.ds(base, BPW)])
    pltpu.sync_copy(cbuf, out_c.at[pl.ds(base, BPW)])
    pltpu.sync_copy(prows, out_p.at[pl.ds(base, BPW)])


_gather5 = pl.kernel(
    _gather_body,
    out_type=tuple(jax.ShapeDtypeStruct((B, D), jnp.float32)
                   for _ in range(5)),
    mesh=plsc.VectorSubcoreMesh(core_axis_name="c", subcore_axis_name="s"),
    scratch_types=[
        pltpu.VMEM((NCHUNK, ICH), jnp.int32),
        pltpu.VMEM((NCHUNK, ICH), jnp.int32),
        pltpu.VMEM((NCHUNK, ICH), jnp.int32),
        pltpu.VMEM((NCHUNK, ICH), jnp.int32),
        pltpu.VMEM((BPW, D), jnp.float32),
        pltpu.VMEM((BPW, D), jnp.float32),
        pltpu.VMEM((BPW, D), jnp.float32),
        pltpu.VMEM((BPW, D), jnp.float32),
        pltpu.VMEM((NCAT, BPW), jnp.int32),
        pltpu.VMEM((CAT_ROWS, D), jnp.float32),
        pltpu.VMEM((BPW, D), jnp.float32),
        pltpu.SemaphoreType.DMA,
    ],
    compiler_params=pltpu.CompilerParams(needs_layout_passes=False,
                                         use_tc_tiling_on_sc=False),
)


BB = 512


def _mlp_body(eu_ref, eb_ref, ea_ref, ec_ref, ep_ref, wf_ref, text_ref,
              w1u_ref, w1b_ref, w1a_ref, w1c_ref, w1p_ref, w1w_ref, w1t_ref,
              b1_ref, w2_ref, b2_ref, w3_ref, ww_ref, out_ref):
    wf = wf_ref[...]
    h = jnp.dot(text_ref[...], w1t_ref[...],
                preferred_element_type=jnp.float32)
    for e_ref, w_ref in ((eu_ref, w1u_ref), (eb_ref, w1b_ref),
                         (ea_ref, w1a_ref), (ec_ref, w1c_ref),
                         (ep_ref, w1p_ref)):
        h = h + jnp.dot(e_ref[...], w_ref[...],
                        preferred_element_type=jnp.float32)
    h = h + jnp.dot(wf, w1w_ref[...], preferred_element_type=jnp.float32)
    h = jnp.maximum(h + b1_ref[...], 0.0)
    h2 = jnp.dot(h, w2_ref[...], preferred_element_type=jnp.float32)
    h2 = jnp.maximum(h2 + b2_ref[...], 0.0)
    deep = jnp.sum(h2 * w3_ref[...], axis=1)
    wide = jnp.sum(wf * ww_ref[...], axis=1)
    out_ref[...] = deep + wide


_mlp = pl.pallas_call(
    _mlp_body,
    grid=(B // BB,),
    in_specs=[
        pl.BlockSpec((BB, D), lambda i: (i, 0)),
        pl.BlockSpec((BB, D), lambda i: (i, 0)),
        pl.BlockSpec((BB, D), lambda i: (i, 0)),
        pl.BlockSpec((BB, D), lambda i: (i, 0)),
        pl.BlockSpec((BB, D), lambda i: (i, 0)),
        pl.BlockSpec((BB, 4), lambda i: (i, 0)),
        pl.BlockSpec((BB, TEXT), lambda i: (i, 0)),
        pl.BlockSpec((D, 128), lambda i: (0, 0)),
        pl.BlockSpec((D, 128), lambda i: (0, 0)),
        pl.BlockSpec((D, 128), lambda i: (0, 0)),
        pl.BlockSpec((D, 128), lambda i: (0, 0)),
        pl.BlockSpec((D, 128), lambda i: (0, 0)),
        pl.BlockSpec((4, 128), lambda i: (0, 0)),
        pl.BlockSpec((TEXT, 128), lambda i: (0, 0)),
        pl.BlockSpec((1, 128), lambda i: (0, 0)),
        pl.BlockSpec((128, 64), lambda i: (0, 0)),
        pl.BlockSpec((1, 64), lambda i: (0, 0)),
        pl.BlockSpec((1, 64), lambda i: (0, 0)),
        pl.BlockSpec((1, 4), lambda i: (0, 0)),
    ],
    out_specs=pl.BlockSpec((BB,), lambda i: (i,)),
    out_shape=jax.ShapeDtypeStruct((B,), jnp.float32),
    compiler_params=pltpu.CompilerParams(
        dimension_semantics=("arbitrary",)),
)


def kernel(user_id, book_id, author_label, category_label, publisher_label,
           page_count, average_rating, ratings_count, published_year,
           full_text_embeddings, W_wide, b_wide, user_table, book_table,
           author_table, category_table, publisher_table, W1, b1, W2, b2,
           W3, b3):
    i32 = jnp.int32
    uid = user_id.astype(i32).reshape(NW, NCHUNK, ICH)
    bid = book_id.astype(i32).reshape(NW, NCHUNK, ICH)
    aid = author_label.astype(i32).reshape(NW, NCHUNK, ICH)
    pid = publisher_label.astype(i32).reshape(NW, NCHUNK, ICH)
    clbl = (category_label.astype(i32)
            .reshape(NW, BPW, NCAT).transpose(0, 2, 1))

    eu, eb, ea, ec, ep = _gather5(uid, bid, aid, pid, clbl, user_table,
                                  book_table, author_table, publisher_table,
                                  category_table)

    wf = jnp.stack([page_count, average_rating, ratings_count,
                    published_year], axis=1)
    out = _mlp(eu, eb, ea, ec, ep, wf, full_text_embeddings,
               W1[:, 0 * D:1 * D].T, W1[:, 1 * D:2 * D].T,
               W1[:, 2 * D:3 * D].T, W1[:, 3 * D:4 * D].T,
               W1[:, 4 * D:5 * D].T, W1[:, 5 * D:5 * D + 4].T,
               W1[:, 5 * D + 4:].T, b1.reshape(1, 128),
               W2.T, b2.reshape(1, 64), W3, W_wide)
    return out + (b3[0] + b_wide[0])

# --- scband reference (transcript-rebuilt; emitter-appended) ---
"""Pipeline reference for scband-wide-and-deep-model-48567490183264 (READ-ONLY COPY).

The authoritative reference and input builder live on the scoring server;
editing this copy changes nothing except your own understanding.
"""

import jax, jax.numpy as jnp
import numpy as np

B = 16384
D = 32
NU = 1000000
NB = 1000000
NA = 100000
NC = 1000
NP = 100000
TEXT = 768
DEEP_IN = 5 * D + 4 + TEXT  # 932


def setup_inputs(seed: int = 0) -> dict:
    key = jax.random.key(seed)
    ks = jax.random.split(key, 24)
    return {
        "user_id": jax.random.randint(ks[0], (B,), 0, NU, dtype=jnp.int64 if jax.config.jax_enable_x64 else jnp.int32),
        "book_id": jax.random.randint(ks[1], (B,), 0, NB),
        "author_label": jax.random.randint(ks[2], (B,), 0, NA),
        "category_label": jax.random.randint(ks[3], (B, 20), 0, NC),
        "publisher_label": jax.random.randint(ks[4], (B,), 0, NP),
        "page_count": jax.random.uniform(ks[5], (B,), dtype=jnp.float32),
        "average_rating": jax.random.uniform(ks[6], (B,), dtype=jnp.float32),
        "ratings_count": jax.random.uniform(ks[7], (B,), dtype=jnp.float32),
        "published_year": jax.random.uniform(ks[8], (B,), dtype=jnp.float32),
        "full_text_embeddings": jax.random.normal(ks[9], (B, TEXT), dtype=jnp.float32),
        "W_wide": jax.random.normal(ks[10], (1, 4), dtype=jnp.float32) * 0.05,
        "b_wide": jnp.zeros((1,), dtype=jnp.float32),
        "user_table": jax.random.normal(ks[11], (NU, D), dtype=jnp.float32) * 0.02,
        "book_table": jax.random.normal(ks[12], (NB, D), dtype=jnp.float32) * 0.02,
        "author_table": jax.random.normal(ks[13], (NA, D), dtype=jnp.float32) * 0.02,
        "category_table": jax.random.normal(ks[14], (NC, D), dtype=jnp.float32) * 0.02,
        "publisher_table": jax.random.normal(ks[15], (NP, D), dtype=jnp.float32) * 0.02,
        "W1": jax.random.normal(ks[16], (128, DEEP_IN), dtype=jnp.float32) * 0.02,
        "b1": jnp.zeros((128,), dtype=jnp.float32),
        "W2": jax.random.normal(ks[17], (64, 128), dtype=jnp.float32) * 0.05,
        "b2": jnp.zeros((64,), dtype=jnp.float32),
        "W3": jax.random.normal(ks[18], (1, 64), dtype=jnp.float32) * 0.05,
        "b3": jnp.zeros((1,), dtype=jnp.float32),
    }


def reference(user_id, book_id, author_label, category_label, publisher_label,
              page_count, average_rating, ratings_count, published_year,
              full_text_embeddings, W_wide, b_wide, user_table, book_table,
              author_table, category_table, publisher_table, W1, b1, W2, b2, W3, b3):
    # wide branch
    wide_input = jnp.stack([page_count, average_rating, ratings_count, published_year], axis=1)
    wide_output = wide_input @ W_wide.T + b_wide
    # embedding lookups (gathers)
    user_emb = jnp.take(user_table, user_id, axis=0)
    book_emb = jnp.take(book_table, book_id, axis=0)
    author_emb = jnp.take(author_table, author_label, axis=0)
    category_emb = jnp.take(category_table, category_label, axis=0).mean(axis=1)
    publisher_emb = jnp.take(publisher_table, publisher_label, axis=0)
    deep_input = jnp.concatenate([
        user_emb, book_emb, author_emb, category_emb, publisher_emb,
        page_count[:, None], average_rating[:, None], ratings_count[:, None],
        published_year[:, None], full_text_embeddings], axis=1)
    # deep MLP (dropout is identity in eval mode)
    h = jax.nn.relu(deep_input @ W1.T + b1)
    h = jax.nn.relu(h @ W2.T + b2)
    deep_output = h @ W3.T + b3
    output = wide_output + deep_output
    return output.squeeze()

if __name__ == "__main__":
    import jax
    _d = setup_inputs()
    print(jax.jit(kernel)(*tuple(_d.values())))

</pallas_src>

<mosaic_0001>
#map = affine_map<(d0, d1) -> (0, 0, 0)>
#map1 = affine_map<(d0, d1) -> (0, 0)>
module attributes {stable_mosaic.version = 14 : i64} {
  func.func @_gather_body(%arg0: i32, %arg1: i32, %arg2: memref<32x4x128xi32, #tpu.memory_space<hbm>>, %arg3: memref<32x4x128xi32, #tpu.memory_space<hbm>>, %arg4: memref<32x4x128xi32, #tpu.memory_space<hbm>>, %arg5: memref<32x4x128xi32, #tpu.memory_space<hbm>>, %arg6: memref<32x20x512xi32, #tpu.memory_space<hbm>>, %arg7: memref<1000000x32xf32, #tpu.memory_space<hbm>>, %arg8: memref<1000000x32xf32, #tpu.memory_space<hbm>>, %arg9: memref<100000x32xf32, #tpu.memory_space<hbm>>, %arg10: memref<100000x32xf32, #tpu.memory_space<hbm>>, %arg11: memref<1000x32xf32, #tpu.memory_space<hbm>>, %arg12: memref<16384x32xf32, #tpu.memory_space<hbm>>, %arg13: memref<16384x32xf32, #tpu.memory_space<hbm>>, %arg14: memref<16384x32xf32, #tpu.memory_space<hbm>>, %arg15: memref<16384x32xf32, #tpu.memory_space<hbm>>, %arg16: memref<16384x32xf32, #tpu.memory_space<hbm>>, %arg17: memref<4x128xi32, #tpu.memory_space<vmem>>, %arg18: memref<4x128xi32, #tpu.memory_space<vmem>>, %arg19: memref<4x128xi32, #tpu.memory_space<vmem>>, %arg20: memref<4x128xi32, #tpu.memory_space<vmem>>, %arg21: memref<512x32xf32, #tpu.memory_space<vmem>>, %arg22: memref<512x32xf32, #tpu.memory_space<vmem>>, %arg23: memref<512x32xf32, #tpu.memory_space<vmem>>, %arg24: memref<512x32xf32, #tpu.memory_space<vmem>>, %arg25: memref<20x512xi32, #tpu.memory_space<vmem>>, %arg26: memref<1000x32xf32, #tpu.memory_space<vmem>>, %arg27: memref<512x32xf32, #tpu.memory_space<vmem>>, %arg28: memref<!tpu.dma_semaphore, #tpu.memory_space<semaphore_mem>>) attributes {dimension_semantics = [#tpu.dimension_semantics<core_parallel>, #tpu.dimension_semantics<subcore_parallel>], iteration_bounds = array<i64: 2, 16>, scalar_prefetch = 0 : i64, scratch_operands = 12 : i64, tpu.core_type = #tpu.core_type<sc_vector_subcore>, window_params = [{transform_indices = #map}, {transform_indices = #map}, {transform_indices = #map}, {transform_indices = #map}, {transform_indices = #map}, {transform_indices = #map1}, {transform_indices = #map1}, {transform_indices = #map1}, {transform_indices = #map1}, {transform_indices = #map1}, {transform_indices = #map1}, {transform_indices = #map1}, {transform_indices = #map1}, {transform_indices = #map1}, {transform_indices = #map1}]} {
    %mul3A = arith.constant 1000 : i32
    %mul3A_0 = arith.muli %arg1, %mul3A : i32
    %add3A = arith.addi %mul3A_0, %arg0 : i32
    %mul3A_1 = arith.constant 512 : i32
    %mul3A_2 = arith.muli %add3A, %mul3A_1 : i32
    "tpu.region"() ({
      %run_scoped3A = tpu.sem_alloc : memref<!tpu.dma_semaphore, #tpu.memory_space<semaphore_mem>>
      %dma_start3A_327 = arith.constant 0 : i32
      %dma_start3A_328 = arith.constant 0 : i32
      %dma_start3A_329 = tpu.memref_slice %arg2[%add3A, %dma_start3A_327, %dma_start3A_328] : memref<32x4x128xi32, #tpu.memory_space<hbm>> -> memref<1x4x128xi32, #tpu.memory_space<hbm>>
      %dma_start3A_330 = tpu.memref_squeeze %dma_start3A_329 : memref<1x4x128xi32, #tpu.memory_space<hbm>> -> memref<4x128xi32, #tpu.memory_space<hbm>>
      %dma_start3A_331 = arith.constant 0 : i32
      %dma_start3A_332 = arith.constant 0 : i32
      %dma_start3A_333 = tpu.memref_slice %arg2[%add3A, %dma_start3A_331, %dma_start3A_332] : memref<32x4x128xi32, #tpu.memory_space<hbm>> -> memref<1x4x128xi32, #tpu.memory_space<hbm>>
      %dma_start3A_334 = tpu.memref_squeeze %dma_start3A_333 : memref<1x4x128xi32, #tpu.memory_space<hbm>> -> memref<4x128xi32, #tpu.memory_space<hbm>>
      tpu.enqueue_dma source(%dma_start3A_334 : memref<4x128xi32, #tpu.memory_space<hbm>>) target(%arg17 : memref<4x128xi32, #tpu.memory_space<vmem>>) target_semaphore(%run_scoped3A : memref<!tpu.dma_semaphore, #tpu.memory_space<semaphore_mem>>)
      %dma_wait3A_335 = arith.constant 0 : i32
      %dma_wait3A_336 = arith.constant 0 : i32
      %dma_wait3A_337 = tpu.memref_slice %arg2[%add3A, %dma_wait3A_335, %dma_wait3A_336] : memref<32x4x128xi32, #tpu.memory_space<hbm>> -> memref<1x4x128xi32, #tpu.memory_space<hbm>>
      %dma_wait3A_338 = tpu.memref_squeeze %dma_wait3A_337 : memref<1x4x128xi32, #tpu.memory_space<hbm>> -> memref<4x128xi32, #tpu.memory_space<hbm>>
      %dma_wait3A_339 = arith.constant 0 : i32
      %dma_wait3A_340 = arith.constant 0 : i32
      %dma_wait3A_341 = tpu.memref_slice %arg2[%add3A, %dma_wait3A_339, %dma_wait3A_340] : memref<32x4x128xi32, #tpu.memory_space<hbm>> -> memref<1x4x128xi32, #tpu.memory_space<hbm>>
      %dma_wait3A_342 = tpu.memref_squeeze %dma_wait3A_341 : memref<1x4x128xi32, #tpu.memory_space<hbm>> -> memref<4x128xi32, #tpu.memory_space<hbm>>
      tpu.wait_dma2 semaphore(%run_scoped3A : memref<!tpu.dma_semaphore, #tpu.memory_space<semaphore_mem>>) src(%dma_wait3A_342 : memref<4x128xi32, #tpu.memory_space<hbm>>) dst(%arg17 : memref<4x128xi32, #tpu.memory_space<vmem>>)
      tpu.yield
    }) : () -> ()
    "tpu.region"() ({
      %run_scoped3A = tpu.sem_alloc : memref<!tpu.dma_semaphore, #tpu.memory_space<semaphore_mem>>
      %dma_start3A_327 = arith.constant 0 : i32
      %dma_start3A_328 = arith.constant 0 : i32
      %dma_start3A_329 = tpu.memref_slice %arg3[%add3A, %dma_start3A_327, %dma_start3A_328] : memref<32x4x128xi32, #tpu.memory_space<hbm>> -> memref<1x4x128xi32, #tpu.memory_space<hbm>>
      %dma_start3A_330 = tpu.memref_squeeze %dma_start3A_329 : memref<1x4x128xi32, #tpu.memory_space<hbm>> -> memref<4x128xi32, #tpu.memory_space<hbm>>
      %dma_start3A_331 = arith.constant 0 : i32
      %dma_start3A_332 = arith.constant 0 : i32
      %dma_start3A_333 = tpu.memref_slice %arg3[%add3A, %dma_start3A_331, %dma_start3A_332] : memref<32x4x128xi32, #tpu.memory_space<hbm>> -> memref<1x4x128xi32, #tpu.memory_space<hbm>>
      %dma_start3A_334 = tpu.memref_squeeze %dma_start3A_333 : memref<1x4x128xi32, #tpu.memory_space<hbm>> -> memref<4x128xi32, #tpu.memory_space<hbm>>
      tpu.enqueue_dma source(%dma_start3A_334 : memref<4x128xi32, #tpu.memory_space<hbm>>) target(%arg18 : memref<4x128xi32, #tpu.memory_space<vmem>>) target_semaphore(%run_scoped3A : memref<!tpu.dma_semaphore, #tpu.memory_space<semaphore_mem>>)
      %dma_wait3A_335 = arith.constant 0 : i32
      %dma_wait3A_336 = arith.constant 0 : i32
      %dma_wait3A_337 = tpu.memref_slice %arg3[%add3A, %dma_wait3A_335, %dma_wait3A_336] : memref<32x4x128xi32, #tpu.memory_space<hbm>> -> memref<1x4x128xi32, #tpu.memory_space<hbm>>
      %dma_wait3A_338 = tpu.memref_squeeze %dma_wait3A_337 : memref<1x4x128xi32, #tpu.memory_space<hbm>> -> memref<4x128xi32, #tpu.memory_space<hbm>>
      %dma_wait3A_339 = arith.constant 0 : i32
      %dma_wait3A_340 = arith.constant 0 : i32
      %dma_wait3A_341 = tpu.memref_slice %arg3[%add3A, %dma_wait3A_339, %dma_wait3A_340] : memref<32x4x128xi32, #tpu.memory_space<hbm>> -> memref<1x4x128xi32, #tpu.memory_space<hbm>>
      %dma_wait3A_342 = tpu.memref_squeeze %dma_wait3A_341 : memref<1x4x128xi32, #tpu.memory_space<hbm>> -> memref<4x128xi32, #tpu.memory_space<hbm>>
      tpu.wait_dma2 semaphore(%run_scoped3A : memref<!tpu.dma_semaphore, #tpu.memory_space<semaphore_mem>>) src(%dma_wait3A_342 : memref<4x128xi32, #tpu.memory_space<hbm>>) dst(%arg18 : memref<4x128xi32, #tpu.memory_space<vmem>>)
      tpu.yield
    }) : () -> ()
    "tpu.region"() ({
      %run_scoped3A = tpu.sem_alloc : memref<!tpu.dma_semaphore, #tpu.memory_space<semaphore_mem>>
      %dma_start3A_327 = arith.constant 0 : i32
      %dma_start3A_328 = arith.constant 0 : i32
      %dma_start3A_329 = tpu.memref_slice %arg4[%add3A, %dma_start3A_327, %dma_start3A_328] : memref<32x4x128xi32, #tpu.memory_space<hbm>> -> memref<1x4x128xi32, #tpu.memory_space<hbm>>
      %dma_start3A_330 = tpu.memref_squeeze %dma_start3A_329 : memref<1x4x128xi32, #tpu.memory_space<hbm>> -> memref<4x128xi32, #tpu.memory_space<hbm>>
      %dma_start3A_331 = arith.constant 0 : i32
      %dma_start3A_332 = arith.constant 0 : i32
      %dma_start3A_333 = tpu.memref_slice %arg4[%add3A, %dma_start3A_331, %dma_start3A_332] : memref<32x4x128xi32, #tpu.memory_space<hbm>> -> memref<1x4x128xi32, #tpu.memory_space<hbm>>
      %dma_start3A_334 = tpu.memref_squeeze %dma_start3A_333 : memref<1x4x128xi32, #tpu.memory_space<hbm>> -> memref<4x128xi32, #tpu.memory_space<hbm>>
      tpu.enqueue_dma source(%dma_start3A_334 : memref<4x128xi32, #tpu.memory_space<hbm>>) target(%arg19 : memref<4x128xi32, #tpu.memory_space<vmem>>) target_semaphore(%run_scoped3A : memref<!tpu.dma_semaphore, #tpu.memory_space<semaphore_mem>>)
      %dma_wait3A_335 = arith.constant 0 : i32
      %dma_wait3A_336 = arith.constant 0 : i32
      %dma_wait3A_337 = tpu.memref_slice %arg4[%add3A, %dma_wait3A_335, %dma_wait3A_336] : memref<32x4x128xi32, #tpu.memory_space<hbm>> -> memref<1x4x128xi32, #tpu.memory_space<hbm>>
      %dma_wait3A_338 = tpu.memref_squeeze %dma_wait3A_337 : memref<1x4x128xi32, #tpu.memory_space<hbm>> -> memref<4x128xi32, #tpu.memory_space<hbm>>
      %dma_wait3A_339 = arith.constant 0 : i32
      %dma_wait3A_340 = arith.constant 0 : i32
      %dma_wait3A_341 = tpu.memref_slice %arg4[%add3A, %dma_wait3A_339, %dma_wait3A_340] : memref<32x4x128xi32, #tpu.memory_space<hbm>> -> memref<1x4x128xi32, #tpu.memory_space<hbm>>
      %dma_wait3A_342 = tpu.memref_squeeze %dma_wait3A_341 : memref<1x4x128xi32, #tpu.memory_space<hbm>> -> memref<4x128xi32, #tpu.memory_space<hbm>>
      tpu.wait_dma2 semaphore(%run_scoped3A : memref<!tpu.dma_semaphore, #tpu.memory_space<semaphore_mem>>) src(%dma_wait3A_342 : memref<4x128xi32, #tpu.memory_space<hbm>>) dst(%arg19 : memref<4x128xi32, #tpu.memory_space<vmem>>)
      tpu.yield
    }) : () -> ()
    "tpu.region"() ({
      %run_scoped3A = tpu.sem_alloc : memref<!tpu.dma_semaphore, #tpu.memory_space<semaphore_mem>>
      %dma_start3A_327 = arith.constant 0 : i32
      %dma_start3A_328 = arith.constant 0 : i32
      %dma_start3A_329 = tpu.memref_slice %arg5[%add3A, %dma_start3A_327, %dma_start3A_328] : memref<32x4x128xi32, #tpu.memory_space<hbm>> -> memref<1x4x128xi32, #tpu.memory_space<hbm>>
      %dma_start3A_330 = tpu.memref_squeeze %dma_start3A_329 : memref<1x4x128xi32, #tpu.memory_space<hbm>> -> memref<4x128xi32, #tpu.memory_space<hbm>>
      %dma_start3A_331 = arith.constant 0 : i32
      %dma_start3A_332 = arith.constant 0 : i32
      %dma_start3A_333 = tpu.memref_slice %arg5[%add3A, %dma_start3A_331, %dma_start3A_332] : memref<32x4x128xi32, #tpu.memory_space<hbm>> -> memref<1x4x128xi32, #tpu.memory_space<hbm>>
      %dma_start3A_334 = tpu.memref_squeeze %dma_start3A_333 : memref<1x4x128xi32, #tpu.memory_space<hbm>> -> memref<4x128xi32, #tpu.memory_space<hbm>>
      tpu.enqueue_dma source(%dma_start3A_334 : memref<4x128xi32, #tpu.memory_space<hbm>>) target(%arg20 : memref<4x128xi32, #tpu.memory_space<vmem>>) target_semaphore(%run_scoped3A : memref<!tpu.dma_semaphore, #tpu.memory_space<semaphore_mem>>)
      %dma_wait3A_335 = arith.constant 0 : i32
      %dma_wait3A_336 = arith.constant 0 : i32
      %dma_wait3A_337 = tpu.memref_slice %arg5[%add3A, %dma_wait3A_335, %dma_wait3A_336] : memref<32x4x128xi32, #tpu.memory_space<hbm>> -> memref<1x4x128xi32, #tpu.memory_space<hbm>>
      %dma_wait3A_338 = tpu.memref_squeeze %dma_wait3A_337 : memref<1x4x128xi32, #tpu.memory_space<hbm>> -> memref<4x128xi32, #tpu.memory_space<hbm>>
      %dma_wait3A_339 = arith.constant 0 : i32
      %dma_wait3A_340 = arith.constant 0 : i32
      %dma_wait3A_341 = tpu.memref_slice %arg5[%add3A, %dma_wait3A_339, %dma_wait3A_340] : memref<32x4x128xi32, #tpu.memory_space<hbm>> -> memref<1x4x128xi32, #tpu.memory_space<hbm>>
      %dma_wait3A_342 = tpu.memref_squeeze %dma_wait3A_341 : memref<1x4x128xi32, #tpu.memory_space<hbm>> -> memref<4x128xi32, #tpu.memory_space<hbm>>
      tpu.wait_dma2 semaphore(%run_scoped3A : memref<!tpu.dma_semaphore, #tpu.memory_space<semaphore_mem>>) src(%dma_wait3A_342 : memref<4x128xi32, #tpu.memory_space<hbm>>) dst(%arg20 : memref<4x128xi32, #tpu.memory_space<vmem>>)
      tpu.yield
    }) : () -> ()
    "tpu.region"() ({
      %run_scoped3A = tpu.sem_alloc : memref<!tpu.dma_semaphore, #tpu.memory_space<semaphore_mem>>
      %dma_start3A_327 = arith.constant 0 : i32
      %dma_start3A_328 = arith.constant 0 : i32
      %dma_start3A_329 = tpu.memref_slice %arg6[%add3A, %dma_start3A_327, %dma_start3A_328] : memref<32x20x512xi32, #tpu.memory_space<hbm>> -> memref<1x20x512xi32, #tpu.memory_space<hbm>>
      %dma_start3A_330 = tpu.memref_squeeze %dma_start3A_329 : memref<1x20x512xi32, #tpu.memory_space<hbm>> -> memref<20x512xi32, #tpu.memory_space<hbm>>
      %dma_start3A_331 = arith.constant 0 : i32
      %dma_start3A_332 = arith.constant 0 : i32
      %dma_start3A_333 = tpu.memref_slice %arg6[%add3A, %dma_start3A_331, %dma_start3A_332] : memref<32x20x512xi32, #tpu.memory_space<hbm>> -> memref<1x20x512xi32, #tpu.memory_space<hbm>>
      %dma_start3A_334 = tpu.memref_squeeze %dma_start3A_333 : memref<1x20x512xi32, #tpu.memory_space<hbm>> -> memref<20x512xi32, #tpu.memory_space<hbm>>
      tpu.enqueue_dma source(%dma_start3A_334 : memref<20x512xi32, #tpu.memory_space<hbm>>) target(%arg25 : memref<20x512xi32, #tpu.memory_space<vmem>>) target_semaphore(%run_scoped3A : memref<!tpu.dma_semaphore, #tpu.memory_space<semaphore_mem>>)
      %dma_wait3A_335 = arith.constant 0 : i32
      %dma_wait3A_336 = arith.constant 0 : i32
      %dma_wait3A_337 = tpu.memref_slice %arg6[%add3A, %dma_wait3A_335, %dma_wait3A_336] : memref<32x20x512xi32, #tpu.memory_space<hbm>> -> memref<1x20x512xi32, #tpu.memory_space<hbm>>
      %dma_wait3A_338 = tpu.memref_squeeze %dma_wait3A_337 : memref<1x20x512xi32, #tpu.memory_space<hbm>> -> memref<20x512xi32, #tpu.memory_space<hbm>>
      %dma_wait3A_339 = arith.constant 0 : i32
      %dma_wait3A_340 = arith.constant 0 : i32
      %dma_wait3A_341 = tpu.memref_slice %arg6[%add3A, %dma_wait3A_339, %dma_wait3A_340] : memref<32x20x512xi32, #tpu.memory_space<hbm>> -> memref<1x20x512xi32, #tpu.memory_space<hbm>>
      %dma_wait3A_342 = tpu.memref_squeeze %dma_wait3A_341 : memref<1x20x512xi32, #tpu.memory_space<hbm>> -> memref<20x512xi32, #tpu.memory_space<hbm>>
      tpu.wait_dma2 semaphore(%run_scoped3A : memref<!tpu.dma_semaphore, #tpu.memory_space<semaphore_mem>>) src(%dma_wait3A_342 : memref<20x512xi32, #tpu.memory_space<hbm>>) dst(%arg25 : memref<20x512xi32, #tpu.memory_space<vmem>>)
      tpu.yield
    }) : () -> ()
    "tpu.region"() ({
      %run_scoped3A = tpu.sem_alloc : memref<!tpu.dma_semaphore, #tpu.memory_space<semaphore_mem>>
      tpu.enqueue_dma source(%arg11 : memref<1000x32xf32, #tpu.memory_space<hbm>>) target(%arg26 : memref<1000x32xf32, #tpu.memory_space<vmem>>) target_semaphore(%run_scoped3A : memref<!tpu.dma_semaphore, #tpu.memory_space<semaphore_mem>>)
      tpu.wait_dma2 semaphore(%run_scoped3A : memref<!tpu.dma_semaphore, #tpu.memory_space<semaphore_mem>>) src(%arg11 : memref<1000x32xf32, #tpu.memory_space<hbm>>) dst(%arg26 : memref<1000x32xf32, #tpu.memory_space<vmem>>)
      tpu.yield
    }) : () -> ()
    %dma_start3A = arith.constant 0 : i32
    %dma_start3A_3 = arith.constant 0 : i32
    %dma_start3A_4 = arith.constant 0 : i32
    %dma_start3A_5 = tpu.memref_slice %arg21[%dma_start3A_3, %dma_start3A_4] : memref<512x32xf32, #tpu.memory_space<vmem>> -> memref<128x32xf32, #tpu.memory_space<vmem>>
    %dma_start3A_6 = arith.constant 0 : i32
    %dma_start3A_7 = tpu.memref_slice %arg17[%dma_start3A, %dma_start3A_6] : memref<4x128xi32, #tpu.memory_space<vmem>> -> memref<1x128xi32, #tpu.memory_space<vmem>>
    %dma_start3A_8 = tpu.memref_squeeze %dma_start3A_7 : memref<1x128xi32, #tpu.memory_space<vmem>> -> memref<128xi32, #tpu.memory_space<vmem>>
    %dma_start3A_9 = arith.constant 0 : i32
    %dma_start3A_10 = arith.constant 0 : i32
    %dma_start3A_11 = tpu.memref_slice %arg7[%dma_start3A_9, %dma_start3A_10] : memref<1000000x32xf32, #tpu.memory_space<hbm>> -> memref<1000000x32xf32, #tpu.memory_space<hbm>>
    tpu.enqueue_indirect_dma source(%dma_start3A_11 : memref<1000000x32xf32, #tpu.memory_space<hbm>>) target(%dma_start3A_5 : memref<128x32xf32, #tpu.memory_space<vmem>>) offsets(%dma_start3A_8 : memref<128xi32, #tpu.memory_space<vmem>>) semaphore(%arg28 : memref<!tpu.dma_semaphore, #tpu.memory_space<semaphore_mem>>)
    %dma_start3A_12 = arith.constant 1 : i32
    %dma_start3A_13 = arith.constant 128 : i32
    %dma_start3A_14 = arith.constant 0 : i32
    %dma_start3A_15 = tpu.memref_slice %arg21[%dma_start3A_13, %dma_start3A_14] : memref<512x32xf32, #tpu.memory_space<vmem>> -> memref<128x32xf32, #tpu.memory_space<vmem>>
    %dma_start3A_16 = arith.constant 0 : i32
    %dma_start3A_17 = tpu.memref_slice %arg17[%dma_start3A_12, %dma_start3A_16] : memref<4x128xi32, #tpu.memory_space<vmem>> -> memref<1x128xi32, #tpu.memory_space<vmem>>
    %dma_start3A_18 = tpu.memref_squeeze %dma_start3A_17 : memref<1x128xi32, #tpu.memory_space<vmem>> -> memref<128xi32, #tpu.memory_space<vmem>>
    %dma_start3A_19 = arith.constant 0 : i32
    %dma_start3A_20 = arith.constant 0 : i32
    %dma_start3A_21 = tpu.memref_slice %arg7[%dma_start3A_19, %dma_start3A_20] : memref<1000000x32xf32, #tpu.memory_space<hbm>> -> memref<1000000x32xf32, #tpu.memory_space<hbm>>
    tpu.enqueue_indirect_dma source(%dma_start3A_21 : memref<1000000x32xf32, #tpu.memory_space<hbm>>) target(%dma_start3A_15 : memref<128x32xf32, #tpu.memory_space<vmem>>) offsets(%dma_start3A_18 : memref<128xi32, #tpu.memory_space<vmem>>) semaphore(%arg28 : memref<!tpu.dma_semaphore, #tpu.memory_space<semaphore_mem>>)
    %dma_start3A_22 = arith.constant 2 : i32
    %dma_start3A_23 = arith.constant 256 : i32
    %dma_start3A_24 = arith.constant 0 : i32
    %dma_start3A_25 = tpu.memref_slice %arg21[%dma_start3A_23, %dma_start3A_24] : memref<512x32xf32, #tpu.memory_space<vmem>> -> memref<128x32xf32, #tpu.memory_space<vmem>>
    %dma_start3A_26 = arith.constant 0 : i32
    %dma_start3A_27 = tpu.memref_slice %arg17[%dma_start3A_22, %dma_start3A_26] : memref<4x128xi32, #tpu.memory_space<vmem>> -> memref<1x128xi32, #tpu.memory_space<vmem>>
    %dma_start3A_28 = tpu.memref_squeeze %dma_start3A_27 : memref<1x128xi32, #tpu.memory_space<vmem>> -> memref<128xi32, #tpu.memory_space<vmem>>
    %dma_start3A_29 = arith.constant 0 : i32
    %dma_start3A_30 = arith.constant 0 : i32
    %dma_start3A_31 = tpu.memref_slice %arg7[%dma_start3A_29, %dma_start3A_30] : memref<1000000x32xf32, #tpu.memory_space<hbm>> -> memref<1000000x32xf32, #tpu.memory_space<hbm>>
    tpu.enqueue_indirect_dma source(%dma_start3A_31 : memref<1000000x32xf32, #tpu.memory_space<hbm>>) target(%dma_start3A_25 : memref<128x32xf32, #tpu.memory_space<vmem>>) offsets(%dma_start3A_28 : memref<128xi32, #tpu.memory_space<vmem>>) semaphore(%arg28 : memref<!tpu.dma_semaphore, #tpu.memory_space<semaphore_mem>>)
    %dma_start3A_32 = arith.constant 3 : i32
    %dma_start3A_33 = arith.constant 384 : i32
    %dma_start3A_34 = arith.constant 0 : i32
    %dma_start3A_35 = tpu.memref_slice %arg21[%dma_start3A_33, %dma_start3A_34] : memref<512x32xf32, #tpu.memory_space<vmem>> -> memref<128x32xf32, #tpu.memory_space<vmem>>
    %dma_start3A_36 = arith.constant 0 : i32
    %dma_start3A_37 = tpu.memref_slice %arg17[%dma_start3A_32, %dma_start3A_36] : memref<4x128xi32, #tpu.memory_space<vmem>> -> memref<1x128xi32, #tpu.memory_space<vmem>>
    %dma_start3A_38 = tpu.memref_squeeze %dma_start3A_37 : memref<1x128xi32, #tpu.memory_space<vmem>> -> memref<128xi32, #tpu.memory_space<vmem>>
    %dma_start3A_39 = arith.constant 0 : i32
    %dma_start3A_40 = arith.constant 0 : i32
    %dma_start3A_41 = tpu.memref_slice %arg7[%dma_start3A_39, %dma_start3A_40] : memref<1000000x32xf32, #tpu.memory_space<hbm>> -> memref<1000000x32xf32, #tpu.memory_space<hbm>>
    tpu.enqueue_indirect_dma source(%dma_start3A_41 : memref<1000000x32xf32, #tpu.memory_space<hbm>>) target(%dma_start3A_35 : memref<128x32xf32, #tpu.memory_space<vmem>>) offsets(%dma_start3A_38 : memref<128xi32, #tpu.memory_space<vmem>>) semaphore(%arg28 : memref<!tpu.dma_semaphore, #tpu.memory_space<semaphore_mem>>)
    %dma_start3A_42 = arith.constant 0 : i32
    %dma_start3A_43 = arith.constant 0 : i32
    %dma_start3A_44 = arith.constant 0 : i32
    %dma_start3A_45 = tpu.memref_slice %arg22[%dma_start3A_43, %dma_start3A_44] : memref<512x32xf32, #tpu.memory_space<vmem>> -> memref<128x32xf32, #tpu.memory_space<vmem>>
    %dma_start3A_46 = arith.constant 0 : i32
    %dma_start3A_47 = tpu.memref_slice %arg18[%dma_start3A_42, %dma_start3A_46] : memref<4x128xi32, #tpu.memory_space<vmem>> -> memref<1x128xi32, #tpu.memory_space<vmem>>
    %dma_start3A_48 = tpu.memref_squeeze %dma_start3A_47 : memref<1x128xi32, #tpu.memory_space<vmem>> -> memref<128xi32, #tpu.memory_space<vmem>>
    %dma_start3A_49 = arith.constant 0 : i32
    %dma_start3A_50 = arith.constant 0 : i32
    %dma_start3A_51 = tpu.memref_slice %arg8[%dma_start3A_49, %dma_start3A_50] : memref<1000000x32xf32, #tpu.memory_space<hbm>> -> memref<1000000x32xf32, #tpu.memory_space<hbm>>
    tpu.enqueue_indirect_dma source(%dma_start3A_51 : memref<1000000x32xf32, #tpu.memory_space<hbm>>) target(%dma_start3A_45 : memref<128x32xf32, #tpu.memory_space<vmem>>) offsets(%dma_start3A_48 : memref<128xi32, #tpu.memory_space<vmem>>) semaphore(%arg28 : memref<!tpu.dma_semaphore, #tpu.memory_space<semaphore_mem>>)
    %dma_start3A_52 = arith.constant 1 : i32
    %dma_start3A_53 = arith.constant 128 : i32
    %dma_start3A_54 = arith.constant 0 : i32
    %dma_start3A_55 = tpu.memref_slice %arg22[%dma_start3A_53, %dma_start3A_54] : memref<512x32xf32, #tpu.memory_space<vmem>> -> memref<128x32xf32, #tpu.memory_space<vmem>>
    %dma_start3A_56 = arith.constant 0 : i32
    %dma_start3A_57 = tpu.memref_slice %arg18[%dma_start3A_52, %dma_start3A_56] : memref<4x128xi32, #tpu.memory_space<vmem>> -> memref<1x128xi32, #tpu.memory_space<vmem>>
    %dma_start3A_58 = tpu.memref_squeeze %dma_start3A_57 : memref<1x128xi32, #tpu.memory_space<vmem>> -> memref<128xi32, #tpu.memory_space<vmem>>
    %dma_start3A_59 = arith.constant 0 : i32
    %dma_start3A_60 = arith.constant 0 : i32
    %dma_start3A_61 = tpu.memref_slice %arg8[%dma_start3A_59, %dma_start3A_60] : memref<1000000x32xf32, #tpu.memory_space<hbm>> -> memref<1000000x32xf32, #tpu.memory_space<hbm>>
    tpu.enqueue_indirect_dma source(%dma_start3A_61 : memref<1000000x32xf32, #tpu.memory_space<hbm>>) target(%dma_start3A_55 : memref<128x32xf32, #tpu.memory_space<vmem>>) offsets(%dma_start3A_58 : memref<128xi32, #tpu.memory_space<vmem>>) semaphore(%arg28 : memref<!tpu.dma_semaphore, #tpu.memory_space<semaphore_mem>>)
    %dma_start3A_62 = arith.constant 2 : i32
    %dma_start3A_63 = arith.constant 256 : i32
    %dma_start3A_64 = arith.constant 0 : i32
    %dma_start3A_65 = tpu.memref_slice %arg22[%dma_start3A_63, %dma_start3A_64] : memref<512x32xf32, #tpu.memory_space<vmem>> -> memref<128x32xf32, #tpu.memory_space<vmem>>
    %dma_start3A_66 = arith.constant 0 : i32
    %dma_start3A_67 = tpu.memref_slice %arg18[%dma_start3A_62, %dma_start3A_66] : memref<4x128xi32, #tpu.memory_space<vmem>> -> memref<1x128xi32, #tpu.memory_space<vmem>>
    %dma_start3A_68 = tpu.memref_squeeze %dma_start3A_67 : memref<1x128xi32, #tpu.memory_space<vmem>> -> memref<128xi32, #tpu.memory_space<vmem>>
    %dma_start3A_69 = arith.constant 0 : i32
    %dma_start3A_70 = arith.constant 0 : i32
    %dma_start3A_71 = tpu.memref_slice %arg8[%dma_start3A_69, %dma_start3A_70] : memref<1000000x32xf32, #tpu.memory_space<hbm>> -> memref<1000000x32xf32, #tpu.memory_space<hbm>>
    tpu.enqueue_indirect_dma source(%dma_start3A_71 : memref<1000000x32xf32, #tpu.memory_space<hbm>>) target(%dma_start3A_65 : memref<128x32xf32, #tpu.memory_space<vmem>>) offsets(%dma_start3A_68 : memref<128xi32, #tpu.memory_space<vmem>>) semaphore(%arg28 : memref<!tpu.dma_semaphore, #tpu.memory_space<semaphore_mem>>)
    %dma_start3A_72 = arith.constant 3 : i32
    %dma_start3A_73 = arith.constant 384 : i32
    %dma_start3A_74 = arith.constant 0 : i32
    %dma_start3A_75 = tpu.memref_slice %arg22[%dma_start3A_73, %dma_start3A_74] : memref<512x32xf32, #tpu.memory_space<vmem>> -> memref<128x32xf32, #tpu.memory_space<vmem>>
    %dma_start3A_76 = arith.constant 0 : i32
    %dma_start3A_77 = tpu.memref_slice %arg18[%dma_start3A_72, %dma_start3A_76] : memref<4x128xi32, #tpu.memory_space<vmem>> -> memref<1x128xi32, #tpu.memory_space<vmem>>
    %dma_start3A_78 = tpu.memref_squeeze %dma_start3A_77 : memref<1x128xi32, #tpu.memory_space<vmem>> -> memref<128xi32, #tpu.memory_space<vmem>>
    %dma_start3A_79 = arith.constant 0 : i32
    %dma_start3A_80 = arith.constant 0 : i32
    %dma_start3A_81 = tpu.memref_slice %arg8[%dma_start3A_79, %dma_start3A_80] : memref<1000000x32xf32, #tpu.memory_space<hbm>> -> memref<1000000x32xf32, #tpu.memory_space<hbm>>
    tpu.enqueue_indirect_dma source(%dma_start3A_81 : memref<1000000x32xf32, #tpu.memory_space<hbm>>) target(%dma_start3A_75 : memref<128x32xf32, #tpu.memory_space<vmem>>) offsets(%dma_start3A_78 : memref<128xi32, #tpu.memory_space<vmem>>) semaphore(%arg28 : memref<!tpu.dma_semaphore, #tpu.memory_space<semaphore_mem>>)
    %dma_start3A_82 = arith.constant 0 : i32
    %dma_start3A_83 = arith.constant 0 : i32
    %dma_start3A_84 = arith.constant 0 : i32
    %dma_start3A_85 = tpu.memref_slice %arg23[%dma_start3A_83, %dma_start3A_84] : memref<512x32xf32, #tpu.memory_space<vmem>> -> memref<128x32xf32, #tpu.memory_space<vmem>>
    %dma_start3A_86 = arith.constant 0 : i32
    %dma_start3A_87 = tpu.memref_slice %arg19[%dma_start3A_82, %dma_start3A_86] : memref<4x128xi32, #tpu.memory_space<vmem>> -> memref<1x128xi32, #tpu.memory_space<vmem>>
    %dma_start3A_88 = tpu.memref_squeeze %dma_start3A_87 : memref<1x128xi32, #tpu.memory_space<vmem>> -> memref<128xi32, #tpu.memory_space<vmem>>
    %dma_start3A_89 = arith.constant 0 : i32
    %dma_start3A_90 = arith.constant 0 : i32
    %dma_start3A_91 = tpu.memref_slice %arg9[%dma_start3A_89, %dma_start3A_90] : memref<100000x32xf32, #tpu.memory_space<hbm>> -> memref<100000x32xf32, #tpu.memory_space<hbm>>
    tpu.enqueue_indirect_dma source(%dma_start3A_91 : memref<100000x32xf32, #tpu.memory_space<hbm>>) target(%dma_start3A_85 : memref<128x32xf32, #tpu.memory_space<vmem>>) offsets(%dma_start3A_88 : memref<128xi32, #tpu.memory_space<vmem>>) semaphore(%arg28 : memref<!tpu.dma_semaphore, #tpu.memory_space<semaphore_mem>>)
    %dma_start3A_92 = arith.constant 1 : i32
    %dma_start3A_93 = arith.constant 128 : i32
    %dma_start3A_94 = arith.constant 0 : i32
    %dma_start3A_95 = tpu.memref_slice %arg23[%dma_start3A_93, %dma_start3A_94] : memref<512x32xf32, #tpu.memory_space<vmem>> -> memref<128x32xf32, #tpu.memory_space<vmem>>
    %dma_start3A_96 = arith.constant 0 : i32
    %dma_start3A_97 = tpu.memref_slice %arg19[%dma_start3A_92, %dma_start3A_96] : memref<4x128xi32, #tpu.memory_space<vmem>> -> memref<1x128xi32, #tpu.memory_space<vmem>>
    %dma_start3A_98 = tpu.memref_squeeze %dma_start3A_97 : memref<1x128xi32, #tpu.memory_space<vmem>> -> memref<128xi32, #tpu.memory_space<vmem>>
    %dma_start3A_99 = arith.constant 0 : i32
    %dma_start3A_100 = arith.constant 0 : i32
    %dma_start3A_101 = tpu.memref_slice %arg9[%dma_start3A_99, %dma_start3A_100] : memref<100000x32xf32, #tpu.memory_space<hbm>> -> memref<100000x32xf32, #tpu.memory_space<hbm>>
    tpu.enqueue_indirect_dma source(%dma_start3A_101 : memref<100000x32xf32, #tpu.memory_space<hbm>>) target(%dma_start3A_95 : memref<128x32xf32, #tpu.memory_space<vmem>>) offsets(%dma_start3A_98 : memref<128xi32, #tpu.memory_space<vmem>>) semaphore(%arg28 : memref<!tpu.dma_semaphore, #tpu.memory_space<semaphore_mem>>)
    %dma_start3A_102 = arith.constant 2 : i32
    %dma_start3A_103 = arith.constant 256 : i32
    %dma_start3A_104 = arith.constant 0 : i32
    %dma_start3A_105 = tpu.memref_slice %arg23[%dma_start3A_103, %dma_start3A_104] : memref<512x32xf32, #tpu.memory_space<vmem>> -> memref<128x32xf32, #tpu.memory_space<vmem>>
    %dma_start3A_106 = arith.constant 0 : i32
    %dma_start3A_107 = tpu.memref_slice %arg19[%dma_start3A_102, %dma_start3A_106] : memref<4x128xi32, #tpu.memory_space<vmem>> -> memref<1x128xi32, #tpu.memory_space<vmem>>
    %dma_start3A_108 = tpu.memref_squeeze %dma_start3A_107 : memref<1x128xi32, #tpu.memory_space<vmem>> -> memref<128xi32, #tpu.memory_space<vmem>>
    %dma_start3A_109 = arith.constant 0 : i32
    %dma_start3A_110 = arith.constant 0 : i32
    %dma_start3A_111 = tpu.memref_slice %arg9[%dma_start3A_109, %dma_start3A_110] : memref<100000x32xf32, #tpu.memory_space<hbm>> -> memref<100000x32xf32, #tpu.memory_space<hbm>>
    tpu.enqueue_indirect_dma source(%dma_start3A_111 : memref<100000x32xf32, #tpu.memory_space<hbm>>) target(%dma_start3A_105 : memref<128x32xf32, #tpu.memory_space<vmem>>) offsets(%dma_start3A_108 : memref<128xi32, #tpu.memory_space<vmem>>) semaphore(%arg28 : memref<!tpu.dma_semaphore, #tpu.memory_space<semaphore_mem>>)
    %dma_start3A_112 = arith.constant 3 : i32
    %dma_start3A_113 = arith.constant 384 : i32
    %dma_start3A_114 = arith.constant 0 : i32
    %dma_start3A_115 = tpu.memref_slice %arg23[%dma_start3A_113, %dma_start3A_114] : memref<512x32xf32, #tpu.memory_space<vmem>> -> memref<128x32xf32, #tpu.memory_space<vmem>>
    %dma_start3A_116 = arith.constant 0 : i32
    %dma_start3A_117 = tpu.memref_slice %arg19[%dma_start3A_112, %dma_start3A_116] : memref<4x128xi32, #tpu.memory_space<vmem>> -> memref<1x128xi32, #tpu.memory_space<vmem>>
    %dma_start3A_118 = tpu.memref_squeeze %dma_start3A_117 : memref<1x128xi32, #tpu.memory_space<vmem>> -> memref<128xi32, #tpu.memory_space<vmem>>
    %dma_start3A_119 = arith.constant 0 : i32
    %dma_start3A_120 = arith.constant 0 : i32
    %dma_start3A_121 = tpu.memref_slice %arg9[%dma_start3A_119, %dma_start3A_120] : memref<100000x32xf32, #tpu.memory_space<hbm>> -> memref<100000x32xf32, #tpu.memory_space<hbm>>
    tpu.enqueue_indirect_dma source(%dma_start3A_121 : memref<100000x32xf32, #tpu.memory_space<hbm>>) target(%dma_start3A_115 : memref<128x32xf32, #tpu.memory_space<vmem>>) offsets(%dma_start3A_118 : memref<128xi32, #tpu.memory_space<vmem>>) semaphore(%arg28 : memref<!tpu.dma_semaphore, #tpu.memory_space<semaphore_mem>>)
    %dma_start3A_122 = arith.constant 0 : i32
    %dma_start3A_123 = arith.constant 0 : i32
    %dma_start3A_124 = arith.constant 0 : i32
    %dma_start3A_125 = tpu.memref_slice %arg24[%dma_start3A_123, %dma_start3A_124] : memref<512x32xf32, #tpu.memory_space<vmem>> -> memref<128x32xf32, #tpu.memory_space<vmem>>
    %dma_start3A_126 = arith.constant 0 : i32
    %dma_start3A_127 = tpu.memref_slice %arg20[%dma_start3A_122, %dma_start3A_126] : memref<4x128xi32, #tpu.memory_space<vmem>> -> memref<1x128xi32, #tpu.memory_space<vmem>>
    %dma_start3A_128 = tpu.memref_squeeze %dma_start3A_127 : memref<1x128xi32, #tpu.memory_space<vmem>> -> memref<128xi32, #tpu.memory_space<vmem>>
    %dma_start3A_129 = arith.constant 0 : i32
    %dma_start3A_130 = arith.constant 0 : i32
    %dma_start3A_131 = tpu.memref_slice %arg10[%dma_start3A_129, %dma_start3A_130] : memref<100000x32xf32, #tpu.memory_space<hbm>> -> memref<100000x32xf32, #tpu.memory_space<hbm>>
    tpu.enqueue_indirect_dma source(%dma_start3A_131 : memref<100000x32xf32, #tpu.memory_space<hbm>>) target(%dma_start3A_125 : memref<128x32xf32, #tpu.memory_space<vmem>>) offsets(%dma_start3A_128 : memref<128xi32, #tpu.memory_space<vmem>>) semaphore(%arg28 : memref<!tpu.dma_semaphore, #tpu.memory_space<semaphore_mem>>)
    %dma_start3A_132 = arith.constant 1 : i32
    %dma_start3A_133 = arith.constant 128 : i32
    %dma_start3A_134 = arith.constant 0 : i32
    %dma_start3A_135 = tpu.memref_slice %arg24[%dma_start3A_133, %dma_start3A_134] : memref<512x32xf32, #tpu.memory_space<vmem>> -> memref<128x32xf32, #tpu.memory_space<vmem>>
    %dma_start3A_136 = arith.constant 0 : i32
    %dma_start3A_137 = tpu.memref_slice %arg20[%dma_start3A_132, %dma_start3A_136] : memref<4x128xi32, #tpu.memory_space<vmem>> -> memref<1x128xi32, #tpu.memory_space<vmem>>
    %dma_start3A_138 = tpu.memref_squeeze %dma_start3A_137 : memref<1x128xi32, #tpu.memory_space<vmem>> -> memref<128xi32, #tpu.memory_space<vmem>>
    %dma_start3A_139 = arith.constant 0 : i32
    %dma_start3A_140 = arith.constant 0 : i32
    %dma_start3A_141 = tpu.memref_slice %arg10[%dma_start3A_139, %dma_start3A_140] : memref<100000x32xf32, #tpu.memory_space<hbm>> -> memref<100000x32xf32, #tpu.memory_space<hbm>>
    tpu.enqueue_indirect_dma source(%dma_start3A_141 : memref<100000x32xf32, #tpu.memory_space<hbm>>) target(%dma_start3A_135 : memref<128x32xf32, #tpu.memory_space<vmem>>) offsets(%dma_start3A_138 : memref<128xi32, #tpu.memory_space<vmem>>) semaphore(%arg28 : memref<!tpu.dma_semaphore, #tpu.memory_space<semaphore_mem>>)
    %dma_start3A_142 = arith.constant 2 : i32
    %dma_start3A_143 = arith.constant 256 : i32
    %dma_start3A_144 = arith.constant 0 : i32
    %dma_start3A_145 = tpu.memref_slice %arg24[%dma_start3A_143, %dma_start3A_144] : memref<512x32xf32, #tpu.memory_space<vmem>> -> memref<128x32xf32, #tpu.memory_space<vmem>>
    %dma_start3A_146 = arith.constant 0 : i32
    %dma_start3A_147 = tpu.memref_slice %arg20[%dma_start3A_142, %dma_start3A_146] : memref<4x128xi32, #tpu.memory_space<vmem>> -> memref<1x128xi32, #tpu.memory_space<vmem>>
    %dma_start3A_148 = tpu.memref_squeeze %dma_start3A_147 : memref<1x128xi32, #tpu.memory_space<vmem>> -> memref<128xi32, #tpu.memory_space<vmem>>
    %dma_start3A_149 = arith.constant 0 : i32
    %dma_start3A_150 = arith.constant 0 : i32
    %dma_start3A_151 = tpu.memref_slice %arg10[%dma_start3A_149, %dma_start3A_150] : memref<100000x32xf32, #tpu.memory_space<hbm>> -> memref<100000x32xf32, #tpu.memory_space<hbm>>
    tpu.enqueue_indirect_dma source(%dma_start3A_151 : memref<100000x32xf32, #tpu.memory_space<hbm>>) target(%dma_start3A_145 : memref<128x32xf32, #tpu.memory_space<vmem>>) offsets(%dma_start3A_148 : memref<128xi32, #tpu.memory_space<vmem>>) semaphore(%arg28 : memref<!tpu.dma_semaphore, #tpu.memory_space<semaphore_mem>>)
    %dma_start3A_152 = arith.constant 3 : i32
    %dma_start3A_153 = arith.constant 384 : i32
    %dma_start3A_154 = arith.constant 0 : i32
    %dma_start3A_155 = tpu.memref_slice %arg24[%dma_start3A_153, %dma_start3A_154] : memref<512x32xf32, #tpu.memory_space<vmem>> -> memref<128x32xf32, #tpu.memory_space<vmem>>
    %dma_start3A_156 = arith.constant 0 : i32
    %dma_start3A_157 = tpu.memref_slice %arg20[%dma_start3A_152, %dma_start3A_156] : memref<4x128xi32, #tpu.memory_space<vmem>> -> memref<1x128xi32, #tpu.memory_space<vmem>>
    %dma_start3A_158 = tpu.memref_squeeze %dma_start3A_157 : memref<1x128xi32, #tpu.memory_space<vmem>> -> memref<128xi32, #tpu.memory_space<vmem>>
    %dma_start3A_159 = arith.constant 0 : i32
    %dma_start3A_160 = arith.constant 0 : i32
    %dma_start3A_161 = tpu.memref_slice %arg10[%dma_start3A_159, %dma_start3A_160] : memref<100000x32xf32, #tpu.memory_space<hbm>> -> memref<100000x32xf32, #tpu.memory_space<hbm>>
    tpu.enqueue_indirect_dma source(%dma_start3A_161 : memref<100000x32xf32, #tpu.memory_space<hbm>>) target(%dma_start3A_155 : memref<128x32xf32, #tpu.memory_space<vmem>>) offsets(%dma_start3A_158 : memref<128xi32, #tpu.memory_space<vmem>>) semaphore(%arg28 : memref<!tpu.dma_semaphore, #tpu.memory_space<semaphore_mem>>)
    %iota3A = tpu.iota {dimensions = array<i32: 0>} : vector<16xi32>
    %broadcast_in_dim3A = arith.constant 5.000000e-02 : f32
    %broadcast_in_dim3A_162 = vector.broadcast %broadcast_in_dim3A : f32 to vector<16xf32>
    %scan3A = arith.constant 0 : i32
    %scan3A_163 = arith.constant 0 : i32
    %scan3A_164 = arith.constant 32 : i32
    %scan3A_165 = arith.addi %scan3A_163, %scan3A_164 : i32
    %scan3A_166 = arith.constant 1 : i32
    scf.for %scan3A_327 = %scan3A_163 to %scan3A_165 step %scan3A_166  : i32 {
      %mul3A_328 = arith.constant 16 : i32
      %mul3A_329 = arith.muli %scan3A_327, %mul3A_328 : i32
      %multiple_of3A = tpu.assume_multiple %mul3A_329, 16 : i32
      %broadcast_in_dim3A_330 = arith.constant 0.000000e+00 : f32
      %broadcast_in_dim3A_331 = vector.broadcast %broadcast_in_dim3A_330 : f32 to vector<16xf32>
      %broadcast_in_dim3A_332 = arith.constant 0.000000e+00 : f32
      %broadcast_in_dim3A_333 = vector.broadcast %broadcast_in_dim3A_332 : f32 to vector<16xf32>
      %broadcast_in_dim3A_334 = arith.constant 0.000000e+00 : f32
      %broadcast_in_dim3A_335 = vector.broadcast %broadcast_in_dim3A_334 : f32 to vector<16xf32>
      %broadcast_in_dim3A_336 = arith.constant 0.000000e+00 : f32
      %broadcast_in_dim3A_337 = vector.broadcast %broadcast_in_dim3A_336 : f32 to vector<16xf32>
      %broadcast_in_dim3A_338 = arith.constant 0.000000e+00 : f32
      %broadcast_in_dim3A_339 = vector.broadcast %broadcast_in_dim3A_338 : f32 to vector<16xf32>
      %broadcast_in_dim3A_340 = arith.constant 0.000000e+00 : f32
      %broadcast_in_dim3A_341 = vector.broadcast %broadcast_in_dim3A_340 : f32 to vector<16xf32>
      %broadcast_in_dim3A_342 = arith.constant 0.000000e+00 : f32
      %broadcast_in_dim3A_343 = vector.broadcast %broadcast_in_dim3A_342 : f32 to vector<16xf32>
      %broadcast_in_dim3A_344 = arith.constant 0.000000e+00 : f32
      %broadcast_in_dim3A_345 = vector.broadcast %broadcast_in_dim3A_344 : f32 to vector<16xf32>
      %broadcast_in_dim3A_346 = arith.constant 0.000000e+00 : f32
      %broadcast_in_dim3A_347 = vector.broadcast %broadcast_in_dim3A_346 : f32 to vector<16xf32>
      %broadcast_in_dim3A_348 = arith.constant 0.000000e+00 : f32
      %broadcast_in_dim3A_349 = vector.broadcast %broadcast_in_dim3A_348 : f32 to vector<16xf32>
      %broadcast_in_dim3A_350 = arith.constant 0.000000e+00 : f32
      %broadcast_in_dim3A_351 = vector.broadcast %broadcast_in_dim3A_350 : f32 to vector<16xf32>
      %broadcast_in_dim3A_352 = arith.constant 0.000000e+00 : f32
      %broadcast_in_dim3A_353 = vector.broadcast %broadcast_in_dim3A_352 : f32 to vector<16xf32>
      %broadcast_in_dim3A_354 = arith.constant 0.000000e+00 : f32
      %broadcast_in_dim3A_355 = vector.broadcast %broadcast_in_dim3A_354 : f32 to vector<16xf32>
      %broadcast_in_dim3A_356 = arith.constant 0.000000e+00 : f32
      %broadcast_in_dim3A_357 = vector.broadcast %broadcast_in_dim3A_356 : f32 to vector<16xf32>
      %broadcast_in_dim3A_358 = arith.constant 0.000000e+00 : f32
      %broadcast_in_dim3A_359 = vector.broadcast %broadcast_in_dim3A_358 : f32 to vector<16xf32>
      %broadcast_in_dim3A_360 = arith.constant 0.000000e+00 : f32
      %broadcast_in_dim3A_361 = vector.broadcast %broadcast_in_dim3A_360 : f32 to vector<16xf32>
      %scan3A_362 = arith.constant 0 : i32
      %scan3A_363 = arith.constant 20 : i32
      %scan3A_364 = arith.addi %scan3A_362, %scan3A_363 : i32
      %scan3A_365 = arith.constant 1 : i32
      %scan3A_366:16 = scf.for %scan3A_506 = %scan3A_362 to %scan3A_364 step %scan3A_365 iter_args(%scan3A_507 = %broadcast_in_dim3A_331, %scan3A_508 = %broadcast_in_dim3A_333, %scan3A_509 = %broadcast_in_dim3A_335, %scan3A_510 = %broadcast_in_dim3A_337, %scan3A_511 = %broadcast_in_dim3A_339, %scan3A_512 = %broadcast_in_dim3A_341, %scan3A_513 = %broadcast_in_dim3A_343, %scan3A_514 = %broadcast_in_dim3A_345, %scan3A_515 = %broadcast_in_dim3A_347, %scan3A_516 = %broadcast_in_dim3A_349, %scan3A_517 = %broadcast_in_dim3A_351, %scan3A_518 = %broadcast_in_dim3A_353, %scan3A_519 = %broadcast_in_dim3A_355, %scan3A_520 = %broadcast_in_dim3A_357, %scan3A_521 = %broadcast_in_dim3A_359, %scan3A_522 = %broadcast_in_dim3A_361) -> (vector<16xf32>, vector<16xf32>, vector<16xf32>, vector<16xf32>, vector<16xf32>, vector<16xf32>, vector<16xf32>, vector<16xf32>, vector<16xf32>, vector<16xf32>, vector<16xf32>, vector<16xf32>, vector<16xf32>, vector<16xf32>, vector<16xf32>, vector<16xf32>)  : i32 {
        %get3A = arith.index_cast %scan3A_506 : i32 to index
        %get3A_523 = arith.index_cast %multiple_of3A : i32 to index
        %get3A_524 = tpu.vector_load %arg25[%get3A, %get3A_523] {strides = array<i32>} : memref<20x512xi32, #tpu.memory_space<vmem>>, vector<16xi32>,
        %broadcast_in_dim3A_525 = arith.constant 0 : i32
        %broadcast_in_dim3A_526 = vector.broadcast %broadcast_in_dim3A_525 : i32 to vector<16xi32>
        %gather3A = tpu.vector_load_idx %arg26[%get3A_524, %broadcast_in_dim3A_526] : memref<1000x32xf32, #tpu.memory_space<vmem>>[vector<16xi32>, vector<16xi32>], vector<16xf32>,
        %add3A_527 = arith.addf %scan3A_507, %gather3A : vector<16xf32>
        %broadcast_in_dim3A_528 = arith.constant 1 : i32
        %broadcast_in_dim3A_529 = vector.broadcast %broadcast_in_dim3A_528 : i32 to vector<16xi32>
        %gather3A_530 = tpu.vector_load_idx %arg26[%get3A_524, %broadcast_in_dim3A_529] : memref<1000x32xf32, #tpu.memory_space<vmem>>[vector<16xi32>, vector<16xi32>], vector<16xf32>,
        %add3A_531 = arith.addf %scan3A_508, %gather3A_530 : vector<16xf32>
        %broadcast_in_dim3A_532 = arith.constant 2 : i32
        %broadcast_in_dim3A_533 = vector.broadcast %broadcast_in_dim3A_532 : i32 to vector<16xi32>
        %gather3A_534 = tpu.vector_load_idx %arg26[%get3A_524, %broadcast_in_dim3A_533] : memref<1000x32xf32, #tpu.memory_space<vmem>>[vector<16xi32>, vector<16xi32>], vector<16xf32>,
        %add3A_535 = arith.addf %scan3A_509, %gather3A_534 : vector<16xf32>
        %broadcast_in_dim3A_536 = arith.constant 3 : i32
        %broadcast_in_dim3A_537 = vector.broadcast %broadcast_in_dim3A_536 : i32 to vector<16xi32>
        %gather3A_538 = tpu.vector_load_idx %arg26[%get3A_524, %broadcast_in_dim3A_537] : memref<1000x32xf32, #tpu.memory_space<vmem>>[vector<16xi32>, vector<16xi32>], vector<16xf32>,
        %add3A_539 = arith.addf %scan3A_510, %gather3A_538 : vector<16xf32>
        %broadcast_in_dim3A_540 = arith.constant 4 : i32
        %broadcast_in_dim3A_541 = vector.broadcast %broadcast_in_dim3A_540 : i32 to vector<16xi32>
        %gather3A_542 = tpu.vector_load_idx %arg26[%get3A_524, %broadcast_in_dim3A_541] : memref<1000x32xf32, #tpu.memory_space<vmem>>[vector<16xi32>, vector<16xi32>], vector<16xf32>,
        %add3A_543 = arith.addf %scan3A_511, %gather3A_542 : vector<16xf32>
        %broadcast_in_dim3A_544 = arith.constant 5 : i32
        %broadcast_in_dim3A_545 = vector.broadcast %broadcast_in_dim3A_544 : i32 to vector<16xi32>
        %gather3A_546 = tpu.vector_load_idx %arg26[%get3A_524, %broadcast_in_dim3A_545] : memref<1000x32xf32, #tpu.memory_space<vmem>>[vector<16xi32>, vector<16xi32>], vector<16xf32>,
        %add3A_547 = arith.addf %scan3A_512, %gather3A_546 : vector<16xf32>
        %broadcast_in_dim3A_548 = arith.constant 6 : i32
        %broadcast_in_dim3A_549 = vector.broadcast %broadcast_in_dim3A_548 : i32 to vector<16xi32>
        %gather3A_550 = tpu.vector_load_idx %arg26[%get3A_524, %broadcast_in_dim3A_549] : memref<1000x32xf32, #tpu.memory_space<vmem>>[vector<16xi32>, vector<16xi32>], vector<16xf32>,
        %add3A_551 = arith.addf %scan3A_513, %gather3A_550 : vector<16xf32>
        %broadcast_in_dim3A_552 = arith.constant 7 : i32
        %broadcast_in_dim3A_553 = vector.broadcast %broadcast_in_dim3A_552 : i32 to vector<16xi32>
        %gather3A_554 = tpu.vector_load_idx %arg26[%get3A_524, %broadcast_in_dim3A_553] : memref<1000x32xf32, #tpu.memory_space<vmem>>[vector<16xi32>, vector<16xi32>], vector<16xf32>,
        %add3A_555 = arith.addf %scan3A_514, %gather3A_554 : vector<16xf32>
        %broadcast_in_dim3A_556 = arith.constant 8 : i32
        %broadcast_in_dim3A_557 = vector.broadcast %broadcast_in_dim3A_556 : i32 to vector<16xi32>
        %gather3A_558 = tpu.vector_load_idx %arg26[%get3A_524, %broadcast_in_dim3A_557] : memref<1000x32xf32, #tpu.memory_space<vmem>>[vector<16xi32>, vector<16xi32>], vector<16xf32>,
        %add3A_559 = arith.addf %scan3A_515, %gather3A_558 : vector<16xf32>
        %broadcast_in_dim3A_560 = arith.constant 9 : i32
        %broadcast_in_dim3A_561 = vector.broadcast %broadcast_in_dim3A_560 : i32 to vector<16xi32>
        %gather3A_562 = tpu.vector_load_idx %arg26[%get3A_524, %broadcast_in_dim3A_561] : memref<1000x32xf32, #tpu.memory_space<vmem>>[vector<16xi32>, vector<16xi32>], vector<16xf32>,
        %add3A_563 = arith.addf %scan3A_516, %gather3A_562 : vector<16xf32>
        %broadcast_in_dim3A_564 = arith.constant 10 : i32
        %broadcast_in_dim3A_565 = vector.broadcast %broadcast_in_dim3A_564 : i32 to vector<16xi32>
        %gather3A_566 = tpu.vector_load_idx %arg26[%get3A_524, %broadcast_in_dim3A_565] : memref<1000x32xf32, #tpu.memory_space<vmem>>[vector<16xi32>, vector<16xi32>], vector<16xf32>,
        %add3A_567 = arith.addf %scan3A_517, %gather3A_566 : vector<16xf32>
        %broadcast_in_dim3A_568 = arith.constant 11 : i32
        %broadcast_in_dim3A_569 = vector.broadcast %broadcast_in_dim3A_568 : i32 to vector<16xi32>
        %gather3A_570 = tpu.vector_load_idx %arg26[%get3A_524, %broadcast_in_dim3A_569] : memref<1000x32xf32, #tpu.memory_space<vmem>>[vector<16xi32>, vector<16xi32>], vector<16xf32>,
        %add3A_571 = arith.addf %scan3A_518, %gather3A_570 : vector<16xf32>
        %broadcast_in_dim3A_572 = arith.constant 12 : i32
        %broadcast_in_dim3A_573 = vector.broadcast %broadcast_in_dim3A_572 : i32 to vector<16xi32>
        %gather3A_574 = tpu.vector_load_idx %arg26[%get3A_524, %broadcast_in_dim3A_573] : memref<1000x32xf32, #tpu.memory_space<vmem>>[vector<16xi32>, vector<16xi32>], vector<16xf32>,
        %add3A_575 = arith.addf %scan3A_519, %gather3A_574 : vector<16xf32>
        %broadcast_in_dim3A_576 = arith.constant 13 : i32
        %broadcast_in_dim3A_577 = vector.broadcast %broadcast_in_dim3A_576 : i32 to vector<16xi32>
        %gather3A_578 = tpu.vector_load_idx %arg26[%get3A_524, %broadcast_in_dim3A_577] : memref<1000x32xf32, #tpu.memory_space<vmem>>[vector<16xi32>, vector<16xi32>], vector<16xf32>,
        %add3A_579 = arith.addf %scan3A_520, %gather3A_578 : vector<16xf32>
        %broadcast_in_dim3A_580 = arith.constant 14 : i32
        %broadcast_in_dim3A_581 = vector.broadcast %broadcast_in_dim3A_580 : i32 to vector<16xi32>
        %gather3A_582 = tpu.vector_load_idx %arg26[%get3A_524, %broadcast_in_dim3A_581] : memref<1000x32xf32, #tpu.memory_space<vmem>>[vector<16xi32>, vector<16xi32>], vector<16xf32>,
        %add3A_583 = arith.addf %scan3A_521, %gather3A_582 : vector<16xf32>
        %broadcast_in_dim3A_584 = arith.constant 15 : i32
        %broadcast_in_dim3A_585 = vector.broadcast %broadcast_in_dim3A_584 : i32 to vector<16xi32>
        %gather3A_586 = tpu.vector_load_idx %arg26[%get3A_524, %broadcast_in_dim3A_585] : memref<1000x32xf32, #tpu.memory_space<vmem>>[vector<16xi32>, vector<16xi32>], vector<16xf32>,
        %add3A_587 = arith.addf %scan3A_522, %gather3A_586 : vector<16xf32>
        scf.yield %add3A_527, %add3A_531, %add3A_535, %add3A_539, %add3A_543, %add3A_547, %add3A_551, %add3A_555, %add3A_559, %add3A_563, %add3A_567, %add3A_571, %add3A_575, %add3A_579, %add3A_583, %add3A_587 : vector<16xf32>, vector<16xf32>, vector<16xf32>, vector<16xf32>, vector<16xf32>, vector<16xf32>, vector<16xf32>, vector<16xf32>, vector<16xf32>, vector<16xf32>, vector<16xf32>, vector<16xf32>, vector<16xf32>, vector<16xf32>, vector<16xf32>, vector<16xf32>
      }
      %scan3A_367 = arith.constant 20 : i32
      %add3A_368 = vector.broadcast %multiple_of3A : i32 to vector<16xi32>
      %add3A_369 = arith.addi %add3A_368, %iota3A : vector<16xi32>
      %broadcast_in_dim3A_370 = arith.constant 0 : i32
      %broadcast_in_dim3A_371 = vector.broadcast %broadcast_in_dim3A_370 : i32 to vector<16xi32>
      %mul3A_372 = arith.mulf %scan3A_366#0, %broadcast_in_dim3A_162 : vector<16xf32>
      tpu.vector_store_idx %arg27[%add3A_369, %broadcast_in_dim3A_371], %mul3A_372 : memref<512x32xf32, #tpu.memory_space<vmem>>[vector<16xi32>, vector<16xi32>], vector<16xf32>,
      %broadcast_in_dim3A_373 = arith.constant 1 : i32
      %broadcast_in_dim3A_374 = vector.broadcast %broadcast_in_dim3A_373 : i32 to vector<16xi32>
      %mul3A_375 = arith.mulf %scan3A_366#1, %broadcast_in_dim3A_162 : vector<16xf32>
      tpu.vector_store_idx %arg27[%add3A_369, %broadcast_in_dim3A_374], %mul3A_375 : memref<512x32xf32, #tpu.memory_space<vmem>>[vector<16xi32>, vector<16xi32>], vector<16xf32>,
      %broadcast_in_dim3A_376 = arith.constant 2 : i32
      %broadcast_in_dim3A_377 = vector.broadcast %broadcast_in_dim3A_376 : i32 to vector<16xi32>
      %mul3A_378 = arith.mulf %scan3A_366#2, %broadcast_in_dim3A_162 : vector<16xf32>
      tpu.vector_store_idx %arg27[%add3A_369, %broadcast_in_dim3A_377], %mul3A_378 : memref<512x32xf32, #tpu.memory_space<vmem>>[vector<16xi32>, vector<16xi32>], vector<16xf32>,
      %broadcast_in_dim3A_379 = arith.constant 3 : i32
      %broadcast_in_dim3A_380 = vector.broadcast %broadcast_in_dim3A_379 : i32 to vector<16xi32>
      %mul3A_381 = arith.mulf %scan3A_366#3, %broadcast_in_dim3A_162 : vector<16xf32>
      tpu.vector_store_idx %arg27[%add3A_369, %broadcast_in_dim3A_380], %mul3A_381 : memref<512x32xf32, #tpu.memory_space<vmem>>[vector<16xi32>, vector<16xi32>], vector<16xf32>,
      %broadcast_in_dim3A_382 = arith.constant 4 : i32
      %broadcast_in_dim3A_383 = vector.broadcast %broadcast_in_dim3A_382 : i32 to vector<16xi32>
      %mul3A_384 = arith.mulf %scan3A_366#4, %broadcast_in_dim3A_162 : vector<16xf32>
      tpu.vector_store_idx %arg27[%add3A_369, %broadcast_in_dim3A_383], %mul3A_384 : memref<512x32xf32, #tpu.memory_space<vmem>>[vector<16xi32>, vector<16xi32>], vector<16xf32>,
      %broadcast_in_dim3A_385 = arith.constant 5 : i32
      %broadcast_in_dim3A_386 = vector.broadcast %broadcast_in_dim3A_385 : i32 to vector<16xi32>
      %mul3A_387 = arith.mulf %scan3A_366#5, %broadcast_in_dim3A_162 : vector<16xf32>
      tpu.vector_store_idx %arg27[%add3A_369, %broadcast_in_dim3A_386], %mul3A_387 : memref<512x32xf32, #tpu.memory_space<vmem>>[vector<16xi32>, vector<16xi32>], vector<16xf32>,
      %broadcast_in_dim3A_388 = arith.constant 6 : i32
      %broadcast_in_dim3A_389 = vector.broadcast %broadcast_in_dim3A_388 : i32 to vector<16xi32>
      %mul3A_390 = arith.mulf %scan3A_366#6, %broadcast_in_dim3A_162 : vector<16xf32>
      tpu.vector_store_idx %arg27[%add3A_369, %broadcast_in_dim3A_389], %mul3A_390 : memref<512x32xf32, #tpu.memory_space<vmem>>[vector<16xi32>, vector<16xi32>], vector<16xf32>,
      %broadcast_in_dim3A_391 = arith.constant 7 : i32
      %broadcast_in_dim3A_392 = vector.broadcast %broadcast_in_dim3A_391 : i32 to vector<16xi32>
      %mul3A_393 = arith.mulf %scan3A_366#7, %broadcast_in_dim3A_162 : vector<16xf32>
      tpu.vector_store_idx %arg27[%add3A_369, %broadcast_in_dim3A_392], %mul3A_393 : memref<512x32xf32, #tpu.memory_space<vmem>>[vector<16xi32>, vector<16xi32>], vector<16xf32>,
      %broadcast_in_dim3A_394 = arith.constant 8 : i32
      %broadcast_in_dim3A_395 = vector.broadcast %broadcast_in_dim3A_394 : i32 to vector<16xi32>
      %mul3A_396 = arith.mulf %scan3A_366#8, %broadcast_in_dim3A_162 : vector<16xf32>
      tpu.vector_store_idx %arg27[%add3A_369, %broadcast_in_dim3A_395], %mul3A_396 : memref<512x32xf32, #tpu.memory_space<vmem>>[vector<16xi32>, vector<16xi32>], vector<16xf32>,
      %broadcast_in_dim3A_397 = arith.constant 9 : i32
      %broadcast_in_dim3A_398 = vector.broadcast %broadcast_in_dim3A_397 : i32 to vector<16xi32>
      %mul3A_399 = arith.mulf %scan3A_366#9, %broadcast_in_dim3A_162 : vector<16xf32>
      tpu.vector_store_idx %arg27[%add3A_369, %broadcast_in_dim3A_398], %mul3A_399 : memref<512x32xf32, #tpu.memory_space<vmem>>[vector<16xi32>, vector<16xi32>], vector<16xf32>,
      %broadcast_in_dim3A_400 = arith.constant 10 : i32
      %broadcast_in_dim3A_401 = vector.broadcast %broadcast_in_dim3A_400 : i32 to vector<16xi32>
      %mul3A_402 = arith.mulf %scan3A_366#10, %broadcast_in_dim3A_162 : vector<16xf32>
      tpu.vector_store_idx %arg27[%add3A_369, %broadcast_in_dim3A_401], %mul3A_402 : memref<512x32xf32, #tpu.memory_space<vmem>>[vector<16xi32>, vector<16xi32>], vector<16xf32>,
      %broadcast_in_dim3A_403 = arith.constant 11 : i32
      %broadcast_in_dim3A_404 = vector.broadcast %broadcast_in_dim3A_403 : i32 to vector<16xi32>
      %mul3A_405 = arith.mulf %scan3A_366#11, %broadcast_in_dim3A_162 : vector<16xf32>
      tpu.vector_store_idx %arg27[%add3A_369, %broadcast_in_dim3A_404], %mul3A_405 : memref<512x32xf32, #tpu.memory_space<vmem>>[vector<16xi32>, vector<16xi32>], vector<16xf32>,
      %broadcast_in_dim3A_406 = arith.constant 12 : i32
      %broadcast_in_dim3A_407 = vector.broadcast %broadcast_in_dim3A_406 : i32 to vector<16xi32>
      %mul3A_408 = arith.mulf %scan3A_366#12, %broadcast_in_dim3A_162 : vector<16xf32>
      tpu.vector_store_idx %arg27[%add3A_369, %broadcast_in_dim3A_407], %mul3A_408 : memref<512x32xf32, #tpu.memory_space<vmem>>[vector<16xi32>, vector<16xi32>], vector<16xf32>,
      %broadcast_in_dim3A_409 = arith.constant 13 : i32
      %broadcast_in_dim3A_410 = vector.broadcast %broadcast_in_dim3A_409 : i32 to vector<16xi32>
      %mul3A_411 = arith.mulf %scan3A_366#13, %broadcast_in_dim3A_162 : vector<16xf32>
      tpu.vector_store_idx %arg27[%add3A_369, %broadcast_in_dim3A_410], %mul3A_411 : memref<512x32xf32, #tpu.memory_space<vmem>>[vector<16xi32>, vector<16xi32>], vector<16xf32>,
      %broadcast_in_dim3A_412 = arith.constant 14 : i32
      %broadcast_in_dim3A_413 = vector.broadcast %broadcast_in_dim3A_412 : i32 to vector<16xi32>
      %mul3A_414 = arith.mulf %scan3A_366#14, %broadcast_in_dim3A_162 : vector<16xf32>
      tpu.vector_store_idx %arg27[%add3A_369, %broadcast_in_dim3A_413], %mul3A_414 : memref<512x32xf32, #tpu.memory_space<vmem>>[vector<16xi32>, vector<16xi32>], vector<16xf32>,
      %broadcast_in_dim3A_415 = arith.constant 15 : i32
      %broadcast_in_dim3A_416 = vector.broadcast %broadcast_in_dim3A_415 : i32 to vector<16xi32>
      %mul3A_417 = arith.mulf %scan3A_366#15, %broadcast_in_dim3A_162 : vector<16xf32>
      tpu.vector_store_idx %arg27[%add3A_369, %broadcast_in_dim3A_416], %mul3A_417 : memref<512x32xf32, #tpu.memory_space<vmem>>[vector<16xi32>, vector<16xi32>], vector<16xf32>,
      %broadcast_in_dim3A_418 = arith.constant 0.000000e+00 : f32
      %broadcast_in_dim3A_419 = vector.broadcast %broadcast_in_dim3A_418 : f32 to vector<16xf32>
      %broadcast_in_dim3A_420 = arith.constant 0.000000e+00 : f32
      %broadcast_in_dim3A_421 = vector.broadcast %broadcast_in_dim3A_420 : f32 to vector<16xf32>
      %broadcast_in_dim3A_422 = arith.constant 0.000000e+00 : f32
      %broadcast_in_dim3A_423 = vector.broadcast %broadcast_in_dim3A_422 : f32 to vector<16xf32>
      %broadcast_in_dim3A_424 = arith.constant 0.000000e+00 : f32
      %broadcast_in_dim3A_425 = vector.broadcast %broadcast_in_dim3A_424 : f32 to vector<16xf32>
      %broadcast_in_dim3A_426 = arith.constant 0.000000e+00 : f32
      %broadcast_in_dim3A_427 = vector.broadcast %broadcast_in_dim3A_426 : f32 to vector<16xf32>
      %broadcast_in_dim3A_428 = arith.constant 0.000000e+00 : f32
      %broadcast_in_dim3A_429 = vector.broadcast %broadcast_in_dim3A_428 : f32 to vector<16xf32>
      %broadcast_in_dim3A_430 = arith.constant 0.000000e+00 : f32
      %broadcast_in_dim3A_431 = vector.broadcast %broadcast_in_dim3A_430 : f32 to vector<16xf32>
      %broadcast_in_dim3A_432 = arith.constant 0.000000e+00 : f32
      %broadcast_in_dim3A_433 = vector.broadcast %broadcast_in_dim3A_432 : f32 to vector<16xf32>
      %broadcast_in_dim3A_434 = arith.constant 0.000000e+00 : f32
      %broadcast_in_dim3A_435 = vector.broadcast %broadcast_in_dim3A_434 : f32 to vector<16xf32>
      %broadcast_in_dim3A_436 = arith.constant 0.000000e+00 : f32
      %broadcast_in_dim3A_437 = vector.broadcast %broadcast_in_dim3A_436 : f32 to vector<16xf32>
      %broadcast_in_dim3A_438 = arith.constant 0.000000e+00 : f32
      %broadcast_in_dim3A_439 = vector.broadcast %broadcast_in_dim3A_438 : f32 to vector<16xf32>
      %broadcast_in_dim3A_440 = arith.constant 0.000000e+00 : f32
      %broadcast_in_dim3A_441 = vector.broadcast %broadcast_in_dim3A_440 : f32 to vector<16xf32>
      %broadcast_in_dim3A_442 = arith.constant 0.000000e+00 : f32
      %broadcast_in_dim3A_443 = vector.broadcast %broadcast_in_dim3A_442 : f32 to vector<16xf32>
      %broadcast_in_dim3A_444 = arith.constant 0.000000e+00 : f32
      %broadcast_in_dim3A_445 = vector.broadcast %broadcast_in_dim3A_444 : f32 to vector<16xf32>
      %broadcast_in_dim3A_446 = arith.constant 0.000000e+00 : f32
      %broadcast_in_dim3A_447 = vector.broadcast %broadcast_in_dim3A_446 : f32 to vector<16xf32>
      %broadcast_in_dim3A_448 = arith.constant 0.000000e+00 : f32
      %broadcast_in_dim3A_449 = vector.broadcast %broadcast_in_dim3A_448 : f32 to vector<16xf32>
      %scan3A_450 = arith.constant 0 : i32
      %scan3A_451 = arith.constant 20 : i32
      %scan3A_452 = arith.addi %scan3A_450, %scan3A_451 : i32
      %scan3A_453 = arith.constant 1 : i32
      %scan3A_454:16 = scf.for %scan3A_506 = %scan3A_450 to %scan3A_452 step %scan3A_453 iter_args(%scan3A_507 = %broadcast_in_dim3A_419, %scan3A_508 = %broadcast_in_dim3A_421, %scan3A_509 = %broadcast_in_dim3A_423, %scan3A_510 = %broadcast_in_dim3A_425, %scan3A_511 = %broadcast_in_dim3A_427, %scan3A_512 = %broadcast_in_dim3A_429, %scan3A_513 = %broadcast_in_dim3A_431, %scan3A_514 = %broadcast_in_dim3A_433, %scan3A_515 = %broadcast_in_dim3A_435, %scan3A_516 = %broadcast_in_dim3A_437, %scan3A_517 = %broadcast_in_dim3A_439, %scan3A_518 = %broadcast_in_dim3A_441, %scan3A_519 = %broadcast_in_dim3A_443, %scan3A_520 = %broadcast_in_dim3A_445, %scan3A_521 = %broadcast_in_dim3A_447, %scan3A_522 = %broadcast_in_dim3A_449) -> (vector<16xf32>, vector<16xf32>, vector<16xf32>, vector<16xf32>, vector<16xf32>, vector<16xf32>, vector<16xf32>, vector<16xf32>, vector<16xf32>, vector<16xf32>, vector<16xf32>, vector<16xf32>, vector<16xf32>, vector<16xf32>, vector<16xf32>, vector<16xf32>)  : i32 {
        %get3A = arith.index_cast %scan3A_506 : i32 to index
        %get3A_523 = arith.index_cast %multiple_of3A : i32 to index
        %get3A_524 = tpu.vector_load %arg25[%get3A, %get3A_523] {strides = array<i32>} : memref<20x512xi32, #tpu.memory_space<vmem>>, vector<16xi32>,
        %broadcast_in_dim3A_525 = arith.constant 16 : i32
        %broadcast_in_dim3A_526 = vector.broadcast %broadcast_in_dim3A_525 : i32 to vector<16xi32>
        %gather3A = tpu.vector_load_idx %arg26[%get3A_524, %broadcast_in_dim3A_526] : memref<1000x32xf32, #tpu.memory_space<vmem>>[vector<16xi32>, vector<16xi32>], vector<16xf32>,
        %add3A_527 = arith.addf %scan3A_507, %gather3A : vector<16xf32>
        %broadcast_in_dim3A_528 = arith.constant 17 : i32
        %broadcast_in_dim3A_529 = vector.broadcast %broadcast_in_dim3A_528 : i32 to vector<16xi32>
        %gather3A_530 = tpu.vector_load_idx %arg26[%get3A_524, %broadcast_in_dim3A_529] : memref<1000x32xf32, #tpu.memory_space<vmem>>[vector<16xi32>, vector<16xi32>], vector<16xf32>,
        %add3A_531 = arith.addf %scan3A_508, %gather3A_530 : vector<16xf32>
        %broadcast_in_dim3A_532 = arith.constant 18 : i32
        %broadcast_in_dim3A_533 = vector.broadcast %broadcast_in_dim3A_532 : i32 to vector<16xi32>
        %gather3A_534 = tpu.vector_load_idx %arg26[%get3A_524, %broadcast_in_dim3A_533] : memref<1000x32xf32, #tpu.memory_space<vmem>>[vector<16xi32>, vector<16xi32>], vector<16xf32>,
        %add3A_535 = arith.addf %scan3A_509, %gather3A_534 : vector<16xf32>
        %broadcast_in_dim3A_536 = arith.constant 19 : i32
        %broadcast_in_dim3A_537 = vector.broadcast %broadcast_in_dim3A_536 : i32 to vector<16xi32>
        %gather3A_538 = tpu.vector_load_idx %arg26[%get3A_524, %broadcast_in_dim3A_537] : memref<1000x32xf32, #tpu.memory_space<vmem>>[vector<16xi32>, vector<16xi32>], vector<16xf32>,
        %add3A_539 = arith.addf %scan3A_510, %gather3A_538 : vector<16xf32>
        %broadcast_in_dim3A_540 = arith.constant 20 : i32
        %broadcast_in_dim3A_541 = vector.broadcast %broadcast_in_dim3A_540 : i32 to vector<16xi32>
        %gather3A_542 = tpu.vector_load_idx %arg26[%get3A_524, %broadcast_in_dim3A_541] : memref<1000x32xf32, #tpu.memory_space<vmem>>[vector<16xi32>, vector<16xi32>], vector<16xf32>,
        %add3A_543 = arith.addf %scan3A_511, %gather3A_542 : vector<16xf32>
        %broadcast_in_dim3A_544 = arith.constant 21 : i32
        %broadcast_in_dim3A_545 = vector.broadcast %broadcast_in_dim3A_544 : i32 to vector<16xi32>
        %gather3A_546 = tpu.vector_load_idx %arg26[%get3A_524, %broadcast_in_dim3A_545] : memref<1000x32xf32, #tpu.memory_space<vmem>>[vector<16xi32>, vector<16xi32>], vector<16xf32>,
        %add3A_547 = arith.addf %scan3A_512, %gather3A_546 : vector<16xf32>
        %broadcast_in_dim3A_548 = arith.constant 22 : i32
        %broadcast_in_dim3A_549 = vector.broadcast %broadcast_in_dim3A_548 : i32 to vector<16xi32>
        %gather3A_550 = tpu.vector_load_idx %arg26[%get3A_524, %broadcast_in_dim3A_549] : memref<1000x32xf32, #tpu.memory_space<vmem>>[vector<16xi32>, vector<16xi32>], vector<16xf32>,
        %add3A_551 = arith.addf %scan3A_513, %gather3A_550 : vector<16xf32>
        %broadcast_in_dim3A_552 = arith.constant 23 : i32
        %broadcast_in_dim3A_553 = vector.broadcast %broadcast_in_dim3A_552 : i32 to vector<16xi32>
        %gather3A_554 = tpu.vector_load_idx %arg26[%get3A_524, %broadcast_in_dim3A_553] : memref<1000x32xf32, #tpu.memory_space<vmem>>[vector<16xi32>, vector<16xi32>], vector<16xf32>,
        %add3A_555 = arith.addf %scan3A_514, %gather3A_554 : vector<16xf32>
        %broadcast_in_dim3A_556 = arith.constant 24 : i32
        %broadcast_in_dim3A_557 = vector.broadcast %broadcast_in_dim3A_556 : i32 to vector<16xi32>
        %gather3A_558 = tpu.vector_load_idx %arg26[%get3A_524, %broadcast_in_dim3A_557] : memref<1000x32xf32, #tpu.memory_space<vmem>>[vector<16xi32>, vector<16xi32>], vector<16xf32>,
        %add3A_559 = arith.addf %scan3A_515, %gather3A_558 : vector<16xf32>
        %broadcast_in_dim3A_560 = arith.constant 25 : i32
        %broadcast_in_dim3A_561 = vector.broadcast %broadcast_in_dim3A_560 : i32 to vector<16xi32>
        %gather3A_562 = tpu.vector_load_idx %arg26[%get3A_524, %broadcast_in_dim3A_561] : memref<1000x32xf32, #tpu.memory_space<vmem>>[vector<16xi32>, vector<16xi32>], vector<16xf32>,
        %add3A_563 = arith.addf %scan3A_516, %gather3A_562 : vector<16xf32>
        %broadcast_in_dim3A_564 = arith.constant 26 : i32
        %broadcast_in_dim3A_565 = vector.broadcast %broadcast_in_dim3A_564 : i32 to vector<16xi32>
        %gather3A_566 = tpu.vector_load_idx %arg26[%get3A_524, %broadcast_in_dim3A_565] : memref<1000x32xf32, #tpu.memory_space<vmem>>[vector<16xi32>, vector<16xi32>], vector<16xf32>,
        %add3A_567 = arith.addf %scan3A_517, %gather3A_566 : vector<16xf32>
        %broadcast_in_dim3A_568 = arith.constant 27 : i32
        %broadcast_in_dim3A_569 = vector.broadcast %broadcast_in_dim3A_568 : i32 to vector<16xi32>
        %gather3A_570 = tpu.vector_load_idx %arg26[%get3A_524, %broadcast_in_dim3A_569] : memref<1000x32xf32, #tpu.memory_space<vmem>>[vector<16xi32>, vector<16xi32>], vector<16xf32>,
        %add3A_571 = arith.addf %scan3A_518, %gather3A_570 : vector<16xf32>
        %broadcast_in_dim3A_572 = arith.constant 28 : i32
        %broadcast_in_dim3A_573 = vector.broadcast %broadcast_in_dim3A_572 : i32 to vector<16xi32>
        %gather3A_574 = tpu.vector_load_idx %arg26[%get3A_524, %broadcast_in_dim3A_573] : memref<1000x32xf32, #tpu.memory_space<vmem>>[vector<16xi32>, vector<16xi32>], vector<16xf32>,
        %add3A_575 = arith.addf %scan3A_519, %gather3A_574 : vector<16xf32>
        %broadcast_in_dim3A_576 = arith.constant 29 : i32
        %broadcast_in_dim3A_577 = vector.broadcast %broadcast_in_dim3A_576 : i32 to vector<16xi32>
        %gather3A_578 = tpu.vector_load_idx %arg26[%get3A_524, %broadcast_in_dim3A_577] : memref<1000x32xf32, #tpu.memory_space<vmem>>[vector<16xi32>, vector<16xi32>], vector<16xf32>,
        %add3A_579 = arith.addf %scan3A_520, %gather3A_578 : vector<16xf32>
        %broadcast_in_dim3A_580 = arith.constant 30 : i32
        %broadcast_in_dim3A_581 = vector.broadcast %broadcast_in_dim3A_580 : i32 to vector<16xi32>
        %gather3A_582 = tpu.vector_load_idx %arg26[%get3A_524, %broadcast_in_dim3A_581] : memref<1000x32xf32, #tpu.memory_space<vmem>>[vector<16xi32>, vector<16xi32>], vector<16xf32>,
        %add3A_583 = arith.addf %scan3A_521, %gather3A_582 : vector<16xf32>
        %broadcast_in_dim3A_584 = arith.constant 31 : i32
        %broadcast_in_dim3A_585 = vector.broadcast %broadcast_in_dim3A_584 : i32 to vector<16xi32>
        %gather3A_586 = tpu.vector_load_idx %arg26[%get3A_524, %broadcast_in_dim3A_585] : memref<1000x32xf32, #tpu.memory_space<vmem>>[vector<16xi32>, vector<16xi32>], vector<16xf32>,
        %add3A_587 = arith.addf %scan3A_522, %gather3A_586 : vector<16xf32>
        scf.yield %add3A_527, %add3A_531, %add3A_535, %add3A_539, %add3A_543, %add3A_547, %add3A_551, %add3A_555, %add3A_559, %add3A_563, %add3A_567, %add3A_571, %add3A_575, %add3A_579, %add3A_583, %add3A_587 : vector<16xf32>, vector<16xf32>, vector<16xf32>, vector<16xf32>, vector<16xf32>, vector<16xf32>, vector<16xf32>, vector<16xf32>, vector<16xf32>, vector<16xf32>, vector<16xf32>, vector<16xf32>, vector<16xf32>, vector<16xf32>, vector<16xf32>, vector<16xf32>
      }
      %scan3A_455 = arith.constant 20 : i32
      %add3A_456 = vector.broadcast %multiple_of3A : i32 to vector<16xi32>
      %add3A_457 = arith.addi %add3A_456, %iota3A : vector<16xi32>
      %broadcast_in_dim3A_458 = arith.constant 16 : i32
      %broadcast_in_dim3A_459 = vector.broadcast %broadcast_in_dim3A_458 : i32 to vector<16xi32>
      %mul3A_460 = arith.mulf %scan3A_454#0, %broadcast_in_dim3A_162 : vector<16xf32>
      tpu.vector_store_idx %arg27[%add3A_457, %broadcast_in_dim3A_459], %mul3A_460 : memref<512x32xf32, #tpu.memory_space<vmem>>[vector<16xi32>, vector<16xi32>], vector<16xf32>,
      %broadcast_in_dim3A_461 = arith.constant 17 : i32
      %broadcast_in_dim3A_462 = vector.broadcast %broadcast_in_dim3A_461 : i32 to vector<16xi32>
      %mul3A_463 = arith.mulf %scan3A_454#1, %broadcast_in_dim3A_162 : vector<16xf32>
      tpu.vector_store_idx %arg27[%add3A_457, %broadcast_in_dim3A_462], %mul3A_463 : memref<512x32xf32, #tpu.memory_space<vmem>>[vector<16xi32>, vector<16xi32>], vector<16xf32>,
      %broadcast_in_dim3A_464 = arith.constant 18 : i32
      %broadcast_in_dim3A_465 = vector.broadcast %broadcast_in_dim3A_464 : i32 to vector<16xi32>
      %mul3A_466 = arith.mulf %scan3A_454#2, %broadcast_in_dim3A_162 : vector<16xf32>
      tpu.vector_store_idx %arg27[%add3A_457, %broadcast_in_dim3A_465], %mul3A_466 : memref<512x32xf32, #tpu.memory_space<vmem>>[vector<16xi32>, vector<16xi32>], vector<16xf32>,
      %broadcast_in_dim3A_467 = arith.constant 19 : i32
      %broadcast_in_dim3A_468 = vector.broadcast %broadcast_in_dim3A_467 : i32 to vector<16xi32>
      %mul3A_469 = arith.mulf %scan3A_454#3, %broadcast_in_dim3A_162 : vector<16xf32>
      tpu.vector_store_idx %arg27[%add3A_457, %broadcast_in_dim3A_468], %mul3A_469 : memref<512x32xf32, #tpu.memory_space<vmem>>[vector<16xi32>, vector<16xi32>], vector<16xf32>,
      %broadcast_in_dim3A_470 = arith.constant 20 : i32
      %broadcast_in_dim3A_471 = vector.broadcast %broadcast_in_dim3A_470 : i32 to vector<16xi32>
      %mul3A_472 = arith.mulf %scan3A_454#4, %broadcast_in_dim3A_162 : vector<16xf32>
      tpu.vector_store_idx %arg27[%add3A_457, %broadcast_in_dim3A_471], %mul3A_472 : memref<512x32xf32, #tpu.memory_space<vmem>>[vector<16xi32>, vector<16xi32>], vector<16xf32>,
      %broadcast_in_dim3A_473 = arith.constant 21 : i32
      %broadcast_in_dim3A_474 = vector.broadcast %broadcast_in_dim3A_473 : i32 to vector<16xi32>
      %mul3A_475 = arith.mulf %scan3A_454#5, %broadcast_in_dim3A_162 : vector<16xf32>
      tpu.vector_store_idx %arg27[%add3A_457, %broadcast_in_dim3A_474], %mul3A_475 : memref<512x32xf32, #tpu.memory_space<vmem>>[vector<16xi32>, vector<16xi32>], vector<16xf32>,
      %broadcast_in_dim3A_476 = arith.constant 22 : i32
      %broadcast_in_dim3A_477 = vector.broadcast %broadcast_in_dim3A_476 : i32 to vector<16xi32>
      %mul3A_478 = arith.mulf %scan3A_454#6, %broadcast_in_dim3A_162 : vector<16xf32>
      tpu.vector_store_idx %arg27[%add3A_457, %broadcast_in_dim3A_477], %mul3A_478 : memref<512x32xf32, #tpu.memory_space<vmem>>[vector<16xi32>, vector<16xi32>], vector<16xf32>,
      %broadcast_in_dim3A_479 = arith.constant 23 : i32
      %broadcast_in_dim3A_480 = vector.broadcast %broadcast_in_dim3A_479 : i32 to vector<16xi32>
      %mul3A_481 = arith.mulf %scan3A_454#7, %broadcast_in_dim3A_162 : vector<16xf32>
      tpu.vector_store_idx %arg27[%add3A_457, %broadcast_in_dim3A_480], %mul3A_481 : memref<512x32xf32, #tpu.memory_space<vmem>>[vector<16xi32>, vector<16xi32>], vector<16xf32>,
      %broadcast_in_dim3A_482 = arith.constant 24 : i32
      %broadcast_in_dim3A_483 = vector.broadcast %broadcast_in_dim3A_482 : i32 to vector<16xi32>
      %mul3A_484 = arith.mulf %scan3A_454#8, %broadcast_in_dim3A_162 : vector<16xf32>
      tpu.vector_store_idx %arg27[%add3A_457, %broadcast_in_dim3A_483], %mul3A_484 : memref<512x32xf32, #tpu.memory_space<vmem>>[vector<16xi32>, vector<16xi32>], vector<16xf32>,
      %broadcast_in_dim3A_485 = arith.constant 25 : i32
      %broadcast_in_dim3A_486 = vector.broadcast %broadcast_in_dim3A_485 : i32 to vector<16xi32>
      %mul3A_487 = arith.mulf %scan3A_454#9, %broadcast_in_dim3A_162 : vector<16xf32>
      tpu.vector_store_idx %arg27[%add3A_457, %broadcast_in_dim3A_486], %mul3A_487 : memref<512x32xf32, #tpu.memory_space<vmem>>[vector<16xi32>, vector<16xi32>], vector<16xf32>,
      %broadcast_in_dim3A_488 = arith.constant 26 : i32
      %broadcast_in_dim3A_489 = vector.broadcast %broadcast_in_dim3A_488 : i32 to vector<16xi32>
      %mul3A_490 = arith.mulf %scan3A_454#10, %broadcast_in_dim3A_162 : vector<16xf32>
      tpu.vector_store_idx %arg27[%add3A_457, %broadcast_in_dim3A_489], %mul3A_490 : memref<512x32xf32, #tpu.memory_space<vmem>>[vector<16xi32>, vector<16xi32>], vector<16xf32>,
      %broadcast_in_dim3A_491 = arith.constant 27 : i32
      %broadcast_in_dim3A_492 = vector.broadcast %broadcast_in_dim3A_491 : i32 to vector<16xi32>
      %mul3A_493 = arith.mulf %scan3A_454#11, %broadcast_in_dim3A_162 : vector<16xf32>
      tpu.vector_store_idx %arg27[%add3A_457, %broadcast_in_dim3A_492], %mul3A_493 : memref<512x32xf32, #tpu.memory_space<vmem>>[vector<16xi32>, vector<16xi32>], vector<16xf32>,
      %broadcast_in_dim3A_494 = arith.constant 28 : i32
      %broadcast_in_dim3A_495 = vector.broadcast %broadcast_in_dim3A_494 : i32 to vector<16xi32>
      %mul3A_496 = arith.mulf %scan3A_454#12, %broadcast_in_dim3A_162 : vector<16xf32>
      tpu.vector_store_idx %arg27[%add3A_457, %broadcast_in_dim3A_495], %mul3A_496 : memref<512x32xf32, #tpu.memory_space<vmem>>[vector<16xi32>, vector<16xi32>], vector<16xf32>,
      %broadcast_in_dim3A_497 = arith.constant 29 : i32
      %broadcast_in_dim3A_498 = vector.broadcast %broadcast_in_dim3A_497 : i32 to vector<16xi32>
      %mul3A_499 = arith.mulf %scan3A_454#13, %broadcast_in_dim3A_162 : vector<16xf32>
      tpu.vector_store_idx %arg27[%add3A_457, %broadcast_in_dim3A_498], %mul3A_499 : memref<512x32xf32, #tpu.memory_space<vmem>>[vector<16xi32>, vector<16xi32>], vector<16xf32>,
      %broadcast_in_dim3A_500 = arith.constant 30 : i32
      %broadcast_in_dim3A_501 = vector.broadcast %broadcast_in_dim3A_500 : i32 to vector<16xi32>
      %mul3A_502 = arith.mulf %scan3A_454#14, %broadcast_in_dim3A_162 : vector<16xf32>
      tpu.vector_store_idx %arg27[%add3A_457, %broadcast_in_dim3A_501], %mul3A_502 : memref<512x32xf32, #tpu.memory_space<vmem>>[vector<16xi32>, vector<16xi32>], vector<16xf32>,
      %broadcast_in_dim3A_503 = arith.constant 31 : i32
      %broadcast_in_dim3A_504 = vector.broadcast %broadcast_in_dim3A_503 : i32 to vector<16xi32>
      %mul3A_505 = arith.mulf %scan3A_454#15, %broadcast_in_dim3A_162 : vector<16xf32>
      tpu.vector_store_idx %arg27[%add3A_457, %broadcast_in_dim3A_504], %mul3A_505 : memref<512x32xf32, #tpu.memory_space<vmem>>[vector<16xi32>, vector<16xi32>], vector<16xf32>,
    }
    %scan3A_167 = arith.constant 32 : i32
    %dma_wait3A = arith.constant 0 : i32
    %dma_wait3A_168 = arith.constant 0 : i32
    %dma_wait3A_169 = arith.constant 0 : i32
    %dma_wait3A_170 = tpu.memref_slice %arg21[%dma_wait3A_168, %dma_wait3A_169] : memref<512x32xf32, #tpu.memory_space<vmem>> -> memref<128x32xf32, #tpu.memory_space<vmem>>
    %dma_wait3A_171 = arith.constant 0 : i32
    %dma_wait3A_172 = tpu.memref_slice %arg17[%dma_wait3A, %dma_wait3A_171] : memref<4x128xi32, #tpu.memory_space<vmem>> -> memref<1x128xi32, #tpu.memory_space<vmem>>
    %dma_wait3A_173 = tpu.memref_squeeze %dma_wait3A_172 : memref<1x128xi32, #tpu.memory_space<vmem>> -> memref<128xi32, #tpu.memory_space<vmem>>
    %dma_wait3A_174 = arith.constant 0 : i32
    %dma_wait3A_175 = arith.constant 0 : i32
    %dma_wait3A_176 = tpu.memref_slice %arg7[%dma_wait3A_174, %dma_wait3A_175] : memref<1000000x32xf32, #tpu.memory_space<hbm>> -> memref<1000000x32xf32, #tpu.memory_space<hbm>>
    tpu.wait_indirect_dma semaphore(%arg28 : memref<!tpu.dma_semaphore, #tpu.memory_space<semaphore_mem>>) src(%dma_wait3A_176 : memref<1000000x32xf32, #tpu.memory_space<hbm>>) dst(%dma_wait3A_170 : memref<128x32xf32, #tpu.memory_space<vmem>>)
    %dma_wait3A_177 = arith.constant 1 : i32
    %dma_wait3A_178 = arith.constant 128 : i32
    %dma_wait3A_179 = arith.constant 0 : i32
    %dma_wait3A_180 = tpu.memref_slice %arg21[%dma_wait3A_178, %dma_wait3A_179] : memref<512x32xf32, #tpu.memory_space<vmem>> -> memref<128x32xf32, #tpu.memory_space<vmem>>
    %dma_wait3A_181 = arith.constant 0 : i32
    %dma_wait3A_182 = tpu.memref_slice %arg17[%dma_wait3A_177, %dma_wait3A_181] : memref<4x128xi32, #tpu.memory_space<vmem>> -> memref<1x128xi32, #tpu.memory_space<vmem>>
    %dma_wait3A_183 = tpu.memref_squeeze %dma_wait3A_182 : memref<1x128xi32, #tpu.memory_space<vmem>> -> memref<128xi32, #tpu.memory_space<vmem>>
    %dma_wait3A_184 = arith.constant 0 : i32
    %dma_wait3A_185 = arith.constant 0 : i32
    %dma_wait3A_186 = tpu.memref_slice %arg7[%dma_wait3A_184, %dma_wait3A_185] : memref<1000000x32xf32, #tpu.memory_space<hbm>> -> memref<1000000x32xf32, #tpu.memory_space<hbm>>
    tpu.wait_indirect_dma semaphore(%arg28 : memref<!tpu.dma_semaphore, #tpu.memory_space<semaphore_mem>>) src(%dma_wait3A_186 : memref<1000000x32xf32, #tpu.memory_space<hbm>>) dst(%dma_wait3A_180 : memref<128x32xf32, #tpu.memory_space<vmem>>)
    %dma_wait3A_187 = arith.constant 2 : i32
    %dma_wait3A_188 = arith.constant 256 : i32
    %dma_wait3A_189 = arith.constant 0 : i32
    %dma_wait3A_190 = tpu.memref_slice %arg21[%dma_wait3A_188, %dma_wait3A_189] : memref<512x32xf32, #tpu.memory_space<vmem>> -> memref<128x32xf32, #tpu.memory_space<vmem>>
    %dma_wait3A_191 = arith.constant 0 : i32
    %dma_wait3A_192 = tpu.memref_slice %arg17[%dma_wait3A_187, %dma_wait3A_191] : memref<4x128xi32, #tpu.memory_space<vmem>> -> memref<1x128xi32, #tpu.memory_space<vmem>>
    %dma_wait3A_193 = tpu.memref_squeeze %dma_wait3A_192 : memref<1x128xi32, #tpu.memory_space<vmem>> -> memref<128xi32, #tpu.memory_space<vmem>>
    %dma_wait3A_194 = arith.constant 0 : i32
    %dma_wait3A_195 = arith.constant 0 : i32
    %dma_wait3A_196 = tpu.memref_slice %arg7[%dma_wait3A_194, %dma_wait3A_195] : memref<1000000x32xf32, #tpu.memory_space<hbm>> -> memref<1000000x32xf32, #tpu.memory_space<hbm>>
    tpu.wait_indirect_dma semaphore(%arg28 : memref<!tpu.dma_semaphore, #tpu.memory_space<semaphore_mem>>) src(%dma_wait3A_196 : memref<1000000x32xf32, #tpu.memory_space<hbm>>) dst(%dma_wait3A_190 : memref<128x32xf32, #tpu.memory_space<vmem>>)
    %dma_wait3A_197 = arith.constant 3 : i32
    %dma_wait3A_198 = arith.constant 384 : i32
    %dma_wait3A_199 = arith.constant 0 : i32
    %dma_wait3A_200 = tpu.memref_slice %arg21[%dma_wait3A_198, %dma_wait3A_199] : memref<512x32xf32, #tpu.memory_space<vmem>> -> memref<128x32xf32, #tpu.memory_space<vmem>>
    %dma_wait3A_201 = arith.constant 0 : i32
    %dma_wait3A_202 = tpu.memref_slice %arg17[%dma_wait3A_197, %dma_wait3A_201] : memref<4x128xi32, #tpu.memory_space<vmem>> -> memref<1x128xi32, #tpu.memory_space<vmem>>
    %dma_wait3A_203 = tpu.memref_squeeze %dma_wait3A_202 : memref<1x128xi32, #tpu.memory_space<vmem>> -> memref<128xi32, #tpu.memory_space<vmem>>
    %dma_wait3A_204 = arith.constant 0 : i32
    %dma_wait3A_205 = arith.constant 0 : i32
    %dma_wait3A_206 = tpu.memref_slice %arg7[%dma_wait3A_204, %dma_wait3A_205] : memref<1000000x32xf32, #tpu.memory_space<hbm>> -> memref<1000000x32xf32, #tpu.memory_space<hbm>>
    tpu.wait_indirect_dma semaphore(%arg28 : memref<!tpu.dma_semaphore, #tpu.memory_space<semaphore_mem>>) src(%dma_wait3A_206 : memref<1000000x32xf32, #tpu.memory_space<hbm>>) dst(%dma_wait3A_200 : memref<128x32xf32, #tpu.memory_space<vmem>>)
    %dma_wait3A_207 = arith.constant 0 : i32
    %dma_wait3A_208 = arith.constant 0 : i32
    %dma_wait3A_209 = arith.constant 0 : i32
    %dma_wait3A_210 = tpu.memref_slice %arg22[%dma_wait3A_208, %dma_wait3A_209] : memref<512x32xf32, #tpu.memory_space<vmem>> -> memref<128x32xf32, #tpu.memory_space<vmem>>
    %dma_wait3A_211 = arith.constant 0 : i32
    %dma_wait3A_212 = tpu.memref_slice %arg18[%dma_wait3A_207, %dma_wait3A_211] : memref<4x128xi32, #tpu.memory_space<vmem>> -> memref<1x128xi32, #tpu.memory_space<vmem>>
    %dma_wait3A_213 = tpu.memref_squeeze %dma_wait3A_212 : memref<1x128xi32, #tpu.memory_space<vmem>> -> memref<128xi32, #tpu.memory_space<vmem>>
    %dma_wait3A_214 = arith.constant 0 : i32
    %dma_wait3A_215 = arith.constant 0 : i32
    %dma_wait3A_216 = tpu.memref_slice %arg8[%dma_wait3A_214, %dma_wait3A_215] : memref<1000000x32xf32, #tpu.memory_space<hbm>> -> memref<1000000x32xf32, #tpu.memory_space<hbm>>
    tpu.wait_indirect_dma semaphore(%arg28 : memref<!tpu.dma_semaphore, #tpu.memory_space<semaphore_mem>>) src(%dma_wait3A_216 : memref<1000000x32xf32, #tpu.memory_space<hbm>>) dst(%dma_wait3A_210 : memref<128x32xf32, #tpu.memory_space<vmem>>)
    %dma_wait3A_217 = arith.constant 1 : i32
    %dma_wait3A_218 = arith.constant 128 : i32
    %dma_wait3A_219 = arith.constant 0 : i32
    %dma_wait3A_220 = tpu.memref_slice %arg22[%dma_wait3A_218, %dma_wait3A_219] : memref<512x32xf32, #tpu.memory_space<vmem>> -> memref<128x32xf32, #tpu.memory_space<vmem>>
    %dma_wait3A_221 = arith.constant 0 : i32
    %dma_wait3A_222 = tpu.memref_slice %arg18[%dma_wait3A_217, %dma_wait3A_221] : memref<4x128xi32, #tpu.memory_space<vmem>> -> memref<1x128xi32, #tpu.memory_space<vmem>>
    %dma_wait3A_223 = tpu.memref_squeeze %dma_wait3A_222 : memref<1x128xi32, #tpu.memory_space<vmem>> -> memref<128xi32, #tpu.memory_space<vmem>>
    %dma_wait3A_224 = arith.constant 0 : i32
    %dma_wait3A_225 = arith.constant 0 : i32
    %dma_wait3A_226 = tpu.memref_slice %arg8[%dma_wait3A_224, %dma_wait3A_225] : memref<1000000x32xf32, #tpu.memory_space<hbm>> -> memref<1000000x32xf32, #tpu.memory_space<hbm>>
    tpu.wait_indirect_dma semaphore(%arg28 : memref<!tpu.dma_semaphore, #tpu.memory_space<semaphore_mem>>) src(%dma_wait3A_226 : memref<1000000x32xf32, #tpu.memory_space<hbm>>) dst(%dma_wait3A_220 : memref<128x32xf32, #tpu.memory_space<vmem>>)
    %dma_wait3A_227 = arith.constant 2 : i32
    %dma_wait3A_228 = arith.constant 256 : i32
    %dma_wait3A_229 = arith.constant 0 : i32
    %dma_wait3A_230 = tpu.memref_slice %arg22[%dma_wait3A_228, %dma_wait3A_229] : memref<512x32xf32, #tpu.memory_space<vmem>> -> memref<128x32xf32, #tpu.memory_space<vmem>>
    %dma_wait3A_231 = arith.constant 0 : i32
    %dma_wait3A_232 = tpu.memref_slice %arg18[%dma_wait3A_227, %dma_wait3A_231] : memref<4x128xi32, #tpu.memory_space<vmem>> -> memref<1x128xi32, #tpu.memory_space<vmem>>
    %dma_wait3A_233 = tpu.memref_squeeze %dma_wait3A_232 : memref<1x128xi32, #tpu.memory_space<vmem>> -> memref<128xi32, #tpu.memory_space<vmem>>
    %dma_wait3A_234 = arith.constant 0 : i32
    %dma_wait3A_235 = arith.constant 0 : i32
    %dma_wait3A_236 = tpu.memref_slice %arg8[%dma_wait3A_234, %dma_wait3A_235] : memref<1000000x32xf32, #tpu.memory_space<hbm>> -> memref<1000000x32xf32, #tpu.memory_space<hbm>>
    tpu.wait_indirect_dma semaphore(%arg28 : memref<!tpu.dma_semaphore, #tpu.memory_space<semaphore_mem>>) src(%dma_wait3A_236 : memref<1000000x32xf32, #tpu.memory_space<hbm>>) dst(%dma_wait3A_230 : memref<128x32xf32, #tpu.memory_space<vmem>>)
    %dma_wait3A_237 = arith.constant 3 : i32
    %dma_wait3A_238 = arith.constant 384 : i32
    %dma_wait3A_239 = arith.constant 0 : i32
    %dma_wait3A_240 = tpu.memref_slice %arg22[%dma_wait3A_238, %dma_wait3A_239] : memref<512x32xf32, #tpu.memory_space<vmem>> -> memref<128x32xf32, #tpu.memory_space<vmem>>
    %dma_wait3A_241 = arith.constant 0 : i32
    %dma_wait3A_242 = tpu.memref_slice %arg18[%dma_wait3A_237, %dma_wait3A_241] : memref<4x128xi32, #tpu.memory_space<vmem>> -> memref<1x128xi32, #tpu.memory_space<vmem>>
    %dma_wait3A_243 = tpu.memref_squeeze %dma_wait3A_242 : memref<1x128xi32, #tpu.memory_space<vmem>> -> memref<128xi32, #tpu.memory_space<vmem>>
    %dma_wait3A_244 = arith.constant 0 : i32
    %dma_wait3A_245 = arith.constant 0 : i32
    %dma_wait3A_246 = tpu.memref_slice %arg8[%dma_wait3A_244, %dma_wait3A_245] : memref<1000000x32xf32, #tpu.memory_space<hbm>> -> memref<1000000x32xf32, #tpu.memory_space<hbm>>
    tpu.wait_indirect_dma semaphore(%arg28 : memref<!tpu.dma_semaphore, #tpu.memory_space<semaphore_mem>>) src(%dma_wait3A_246 : memref<1000000x32xf32, #tpu.memory_space<hbm>>) dst(%dma_wait3A_240 : memref<128x32xf32, #tpu.memory_space<vmem>>)
    %dma_wait3A_247 = arith.constant 0 : i32
    %dma_wait3A_248 = arith.constant 0 : i32
    %dma_wait3A_249 = arith.constant 0 : i32
    %dma_wait3A_250 = tpu.memref_slice %arg23[%dma_wait3A_248, %dma_wait3A_249] : memref<512x32xf32, #tpu.memory_space<vmem>> -> memref<128x32xf32, #tpu.memory_space<vmem>>
    %dma_wait3A_251 = arith.constant 0 : i32
    %dma_wait3A_252 = tpu.memref_slice %arg19[%dma_wait3A_247, %dma_wait3A_251] : memref<4x128xi32, #tpu.memory_space<vmem>> -> memref<1x128xi32, #tpu.memory_space<vmem>>
    %dma_wait3A_253 = tpu.memref_squeeze %dma_wait3A_252 : memref<1x128xi32, #tpu.memory_space<vmem>> -> memref<128xi32, #tpu.memory_space<vmem>>
    %dma_wait3A_254 = arith.constant 0 : i32
    %dma_wait3A_255 = arith.constant 0 : i32
    %dma_wait3A_256 = tpu.memref_slice %arg9[%dma_wait3A_254, %dma_wait3A_255] : memref<100000x32xf32, #tpu.memory_space<hbm>> -> memref<100000x32xf32, #tpu.memory_space<hbm>>
    tpu.wait_indirect_dma semaphore(%arg28 : memref<!tpu.dma_semaphore, #tpu.memory_space<semaphore_mem>>) src(%dma_wait3A_256 : memref<100000x32xf32, #tpu.memory_space<hbm>>) dst(%dma_wait3A_250 : memref<128x32xf32, #tpu.memory_space<vmem>>)
    %dma_wait3A_257 = arith.constant 1 : i32
    %dma_wait3A_258 = arith.constant 128 : i32
    %dma_wait3A_259 = arith.constant 0 : i32
    %dma_wait3A_260 = tpu.memref_slice %arg23[%dma_wait3A_258, %dma_wait3A_259] : memref<512x32xf32, #tpu.memory_space<vmem>> -> memref<128x32xf32, #tpu.memory_space<vmem>>
    %dma_wait3A_261 = arith.constant 0 : i32
    %dma_wait3A_262 = tpu.memref_slice %arg19[%dma_wait3A_257, %dma_wait3A_261] : memref<4x128xi32, #tpu.memory_space<vmem>> -> memref<1x128xi32, #tpu.memory_space<vmem>>
    %dma_wait3A_263 = tpu.memref_squeeze %dma_wait3A_262 : memref<1x128xi32, #tpu.memory_space<vmem>> -> memref<128xi32, #tpu.memory_space<vmem>>
    %dma_wait3A_264 = arith.constant 0 : i32
    %dma_wait3A_265 = arith.constant 0 : i32
    %dma_wait3A_266 = tpu.memref_slice %arg9[%dma_wait3A_264, %dma_wait3A_265] : memref<100000x32xf32, #tpu.memory_space<hbm>> -> memref<100000x32xf32, #tpu.memory_space<hbm>>
    tpu.wait_indirect_dma semaphore(%arg28 : memref<!tpu.dma_semaphore, #tpu.memory_space<semaphore_mem>>) src(%dma_wait3A_266 : memref<100000x32xf32, #tpu.memory_space<hbm>>) dst(%dma_wait3A_260 : memref<128x32xf32, #tpu.memory_space<vmem>>)
    %dma_wait3A_267 = arith.constant 2 : i32
    %dma_wait3A_268 = arith.constant 256 : i32
    %dma_wait3A_269 = arith.constant 0 : i32
    %dma_wait3A_270 = tpu.memref_slice %arg23[%dma_wait3A_268, %dma_wait3A_269] : memref<512x32xf32, #tpu.memory_space<vmem>> -> memref<128x32xf32, #tpu.memory_space<vmem>>
    %dma_wait3A_271 = arith.constant 0 : i32
    %dma_wait3A_272 = tpu.memref_slice %arg19[%dma_wait3A_267, %dma_wait3A_271] : memref<4x128xi32, #tpu.memory_space<vmem>> -> memref<1x128xi32, #tpu.memory_space<vmem>>
    %dma_wait3A_273 = tpu.memref_squeeze %dma_wait3A_272 : memref<1x128xi32, #tpu.memory_space<vmem>> -> memref<128xi32, #tpu.memory_space<vmem>>
    %dma_wait3A_274 = arith.constant 0 : i32
    %dma_wait3A_275 = arith.constant 0 : i32
    %dma_wait3A_276 = tpu.memref_slice %arg9[%dma_wait3A_274, %dma_wait3A_275] : memref<100000x32xf32, #tpu.memory_space<hbm>> -> memref<100000x32xf32, #tpu.memory_space<hbm>>
    tpu.wait_indirect_dma semaphore(%arg28 : memref<!tpu.dma_semaphore, #tpu.memory_space<semaphore_mem>>) src(%dma_wait3A_276 : memref<100000x32xf32, #tpu.memory_space<hbm>>) dst(%dma_wait3A_270 : memref<128x32xf32, #tpu.memory_space<vmem>>)
    %dma_wait3A_277 = arith.constant 3 : i32
    %dma_wait3A_278 = arith.constant 384 : i32
    %dma_wait3A_279 = arith.constant 0 : i32
    %dma_wait3A_280 = tpu.memref_slice %arg23[%dma_wait3A_278, %dma_wait3A_279] : memref<512x32xf32, #tpu.memory_space<vmem>> -> memref<128x32xf32, #tpu.memory_space<vmem>>
    %dma_wait3A_281 = arith.constant 0 : i32
    %dma_wait3A_282 = tpu.memref_slice %arg19[%dma_wait3A_277, %dma_wait3A_281] : memref<4x128xi32, #tpu.memory_space<vmem>> -> memref<1x128xi32, #tpu.memory_space<vmem>>
    %dma_wait3A_283 = tpu.memref_squeeze %dma_wait3A_282 : memref<1x128xi32, #tpu.memory_space<vmem>> -> memref<128xi32, #tpu.memory_space<vmem>>
    %dma_wait3A_284 = arith.constant 0 : i32
    %dma_wait3A_285 = arith.constant 0 : i32
    %dma_wait3A_286 = tpu.memref_slice %arg9[%dma_wait3A_284, %dma_wait3A_285] : memref<100000x32xf32, #tpu.memory_space<hbm>> -> memref<100000x32xf32, #tpu.memory_space<hbm>>
    tpu.wait_indirect_dma semaphore(%arg28 : memref<!tpu.dma_semaphore, #tpu.memory_space<semaphore_mem>>) src(%dma_wait3A_286 : memref<100000x32xf32, #tpu.memory_space<hbm>>) dst(%dma_wait3A_280 : memref<128x32xf32, #tpu.memory_space<vmem>>)
    %dma_wait3A_287 = arith.constant 0 : i32
    %dma_wait3A_288 = arith.constant 0 : i32
    %dma_wait3A_289 = arith.constant 0 : i32
    %dma_wait3A_290 = tpu.memref_slice %arg24[%dma_wait3A_288, %dma_wait3A_289] : memref<512x32xf32, #tpu.memory_space<vmem>> -> memref<128x32xf32, #tpu.memory_space<vmem>>
    %dma_wait3A_291 = arith.constant 0 : i32
    %dma_wait3A_292 = tpu.memref_slice %arg20[%dma_wait3A_287, %dma_wait3A_291] : memref<4x128xi32, #tpu.memory_space<vmem>> -> memref<1x128xi32, #tpu.memory_space<vmem>>
    %dma_wait3A_293 = tpu.memref_squeeze %dma_wait3A_292 : memref<1x128xi32, #tpu.memory_space<vmem>> -> memref<128xi32, #tpu.memory_space<vmem>>
    %dma_wait3A_294 = arith.constant 0 : i32
    %dma_wait3A_295 = arith.constant 0 : i32
    %dma_wait3A_296 = tpu.memref_slice %arg10[%dma_wait3A_294, %dma_wait3A_295] : memref<100000x32xf32, #tpu.memory_space<hbm>> -> memref<100000x32xf32, #tpu.memory_space<hbm>>
    tpu.wait_indirect_dma semaphore(%arg28 : memref<!tpu.dma_semaphore, #tpu.memory_space<semaphore_mem>>) src(%dma_wait3A_296 : memref<100000x32xf32, #tpu.memory_space<hbm>>) dst(%dma_wait3A_290 : memref<128x32xf32, #tpu.memory_space<vmem>>)
    %dma_wait3A_297 = arith.constant 1 : i32
    %dma_wait3A_298 = arith.constant 128 : i32
    %dma_wait3A_299 = arith.constant 0 : i32
    %dma_wait3A_300 = tpu.memref_slice %arg24[%dma_wait3A_298, %dma_wait3A_299] : memref<512x32xf32, #tpu.memory_space<vmem>> -> memref<128x32xf32, #tpu.memory_space<vmem>>
    %dma_wait3A_301 = arith.constant 0 : i32
    %dma_wait3A_302 = tpu.memref_slice %arg20[%dma_wait3A_297, %dma_wait3A_301] : memref<4x128xi32, #tpu.memory_space<vmem>> -> memref<1x128xi32, #tpu.memory_space<vmem>>
    %dma_wait3A_303 = tpu.memref_squeeze %dma_wait3A_302 : memref<1x128xi32, #tpu.memory_space<vmem>> -> memref<128xi32, #tpu.memory_space<vmem>>
    %dma_wait3A_304 = arith.constant 0 : i32
    %dma_wait3A_305 = arith.constant 0 : i32
    %dma_wait3A_306 = tpu.memref_slice %arg10[%dma_wait3A_304, %dma_wait3A_305] : memref<100000x32xf32, #tpu.memory_space<hbm>> -> memref<100000x32xf32, #tpu.memory_space<hbm>>
    tpu.wait_indirect_dma semaphore(%arg28 : memref<!tpu.dma_semaphore, #tpu.memory_space<semaphore_mem>>) src(%dma_wait3A_306 : memref<100000x32xf32, #tpu.memory_space<hbm>>) dst(%dma_wait3A_300 : memref<128x32xf32, #tpu.memory_space<vmem>>)
    %dma_wait3A_307 = arith.constant 2 : i32
    %dma_wait3A_308 = arith.constant 256 : i32
    %dma_wait3A_309 = arith.constant 0 : i32
    %dma_wait3A_310 = tpu.memref_slice %arg24[%dma_wait3A_308, %dma_wait3A_309] : memref<512x32xf32, #tpu.memory_space<vmem>> -> memref<128x32xf32, #tpu.memory_space<vmem>>
    %dma_wait3A_311 = arith.constant 0 : i32
    %dma_wait3A_312 = tpu.memref_slice %arg20[%dma_wait3A_307, %dma_wait3A_311] : memref<4x128xi32, #tpu.memory_space<vmem>> -> memref<1x128xi32, #tpu.memory_space<vmem>>
    %dma_wait3A_313 = tpu.memref_squeeze %dma_wait3A_312 : memref<1x128xi32, #tpu.memory_space<vmem>> -> memref<128xi32, #tpu.memory_space<vmem>>
    %dma_wait3A_314 = arith.constant 0 : i32
    %dma_wait3A_315 = arith.constant 0 : i32
    %dma_wait3A_316 = tpu.memref_slice %arg10[%dma_wait3A_314, %dma_wait3A_315] : memref<100000x32xf32, #tpu.memory_space<hbm>> -> memref<100000x32xf32, #tpu.memory_space<hbm>>
    tpu.wait_indirect_dma semaphore(%arg28 : memref<!tpu.dma_semaphore, #tpu.memory_space<semaphore_mem>>) src(%dma_wait3A_316 : memref<100000x32xf32, #tpu.memory_space<hbm>>) dst(%dma_wait3A_310 : memref<128x32xf32, #tpu.memory_space<vmem>>)
    %dma_wait3A_317 = arith.constant 3 : i32
    %dma_wait3A_318 = arith.constant 384 : i32
    %dma_wait3A_319 = arith.constant 0 : i32
    %dma_wait3A_320 = tpu.memref_slice %arg24[%dma_wait3A_318, %dma_wait3A_319] : memref<512x32xf32, #tpu.memory_space<vmem>> -> memref<128x32xf32, #tpu.memory_space<vmem>>
    %dma_wait3A_321 = arith.constant 0 : i32
    %dma_wait3A_322 = tpu.memref_slice %arg20[%dma_wait3A_317, %dma_wait3A_321] : memref<4x128xi32, #tpu.memory_space<vmem>> -> memref<1x128xi32, #tpu.memory_space<vmem>>
    %dma_wait3A_323 = tpu.memref_squeeze %dma_wait3A_322 : memref<1x128xi32, #tpu.memory_space<vmem>> -> memref<128xi32, #tpu.memory_space<vmem>>
    %dma_wait3A_324 = arith.constant 0 : i32
    %dma_wait3A_325 = arith.constant 0 : i32
    %dma_wait3A_326 = tpu.memref_slice %arg10[%dma_wait3A_324, %dma_wait3A_325] : memref<100000x32xf32, #tpu.memory_space<hbm>> -> memref<100000x32xf32, #tpu.memory_space<hbm>>
    tpu.wait_indirect_dma semaphore(%arg28 : memref<!tpu.dma_semaphore, #tpu.memory_space<semaphore_mem>>) src(%dma_wait3A_326 : memref<100000x32xf32, #tpu.memory_space<hbm>>) dst(%dma_wait3A_320 : memref<128x32xf32, #tpu.memory_space<vmem>>)
    "tpu.region"() ({
      %run_scoped3A = tpu.sem_alloc : memref<!tpu.dma_semaphore, #tpu.memory_space<semaphore_mem>>
      %dma_start3A_327 = arith.constant 0 : i32
      %dma_start3A_328 = tpu.memref_slice %arg12[%mul3A_2, %dma_start3A_327] : memref<16384x32xf32, #tpu.memory_space<hbm>> -> memref<512x32xf32, #tpu.memory_space<hbm>>
      %dma_start3A_329 = arith.constant 0 : i32
      %dma_start3A_330 = tpu.memref_slice %arg12[%mul3A_2, %dma_start3A_329] : memref<16384x32xf32, #tpu.memory_space<hbm>> -> memref<512x32xf32, #tpu.memory_space<hbm>>
      tpu.enqueue_dma source(%arg21 : memref<512x32xf32, #tpu.memory_space<vmem>>) target(%dma_start3A_330 : memref<512x32xf32, #tpu.memory_space<hbm>>) target_semaphore(%run_scoped3A : memref<!tpu.dma_semaphore, #tpu.memory_space<semaphore_mem>>)
      %dma_wait3A_331 = arith.constant 0 : i32
      %dma_wait3A_332 = tpu.memref_slice %arg12[%mul3A_2, %dma_wait3A_331] : memref<16384x32xf32, #tpu.memory_space<hbm>> -> memref<512x32xf32, #tpu.memory_space<hbm>>
      %dma_wait3A_333 = arith.constant 0 : i32
      %dma_wait3A_334 = tpu.memref_slice %arg12[%mul3A_2, %dma_wait3A_333] : memref<16384x32xf32, #tpu.memory_space<hbm>> -> memref<512x32xf32, #tpu.memory_space<hbm>>
      tpu.wait_dma2 semaphore(%run_scoped3A : memref<!tpu.dma_semaphore, #tpu.memory_space<semaphore_mem>>) src(%arg21 : memref<512x32xf32, #tpu.memory_space<vmem>>) dst(%dma_wait3A_334 : memref<512x32xf32, #tpu.memory_space<hbm>>)
      tpu.yield
    }) : () -> ()
    "tpu.region"() ({
      %run_scoped3A = tpu.sem_alloc : memref<!tpu.dma_semaphore, #tpu.memory_space<semaphore_mem>>
      %dma_start3A_327 = arith.constant 0 : i32
      %dma_start3A_328 = tpu.memref_slice %arg13[%mul3A_2, %dma_start3A_327] : memref<16384x32xf32, #tpu.memory_space<hbm>> -> memref<512x32xf32, #tpu.memory_space<hbm>>
      %dma_start3A_329 = arith.constant 0 : i32
      %dma_start3A_330 = tpu.memref_slice %arg13[%mul3A_2, %dma_start3A_329] : memref<16384x32xf32, #tpu.memory_space<hbm>> -> memref<512x32xf32, #tpu.memory_space<hbm>>
      tpu.enqueue_dma source(%arg22 : memref<512x32xf32, #tpu.memory_space<vmem>>) target(%dma_start3A_330 : memref<512x32xf32, #tpu.memory_space<hbm>>) target_semaphore(%run_scoped3A : memref<!tpu.dma_semaphore, #tpu.memory_space<semaphore_mem>>)
      %dma_wait3A_331 = arith.constant 0 : i32
      %dma_wait3A_332 = tpu.memref_slice %arg13[%mul3A_2, %dma_wait3A_331] : memref<16384x32xf32, #tpu.memory_space<hbm>> -> memref<512x32xf32, #tpu.memory_space<hbm>>
      %dma_wait3A_333 = arith.constant 0 : i32
      %dma_wait3A_334 = tpu.memref_slice %arg13[%mul3A_2, %dma_wait3A_333] : memref<16384x32xf32, #tpu.memory_space<hbm>> -> memref<512x32xf32, #tpu.memory_space<hbm>>
      tpu.wait_dma2 semaphore(%run_scoped3A : memref<!tpu.dma_semaphore, #tpu.memory_space<semaphore_mem>>) src(%arg22 : memref<512x32xf32, #tpu.memory_space<vmem>>) dst(%dma_wait3A_334 : memref<512x32xf32, #tpu.memory_space<hbm>>)
      tpu.yield
    }) : () -> ()
    "tpu.region"() ({
      %run_scoped3A = tpu.sem_alloc : memref<!tpu.dma_semaphore, #tpu.memory_space<semaphore_mem>>
      %dma_start3A_327 = arith.constant 0 : i32
      %dma_start3A_328 = tpu.memref_slice %arg14[%mul3A_2, %dma_start3A_327] : memref<16384x32xf32, #tpu.memory_space<hbm>> -> memref<512x32xf32, #tpu.memory_space<hbm>>
      %dma_start3A_329 = arith.constant 0 : i32
      %dma_start3A_330 = tpu.memref_slice %arg14[%mul3A_2, %dma_start3A_329] : memref<16384x32xf32, #tpu.memory_space<hbm>> -> memref<512x32xf32, #tpu.memory_space<hbm>>
      tpu.enqueue_dma source(%arg23 : memref<512x32xf32, #tpu.memory_space<vmem>>) target(%dma_start3A_330 : memref<512x32xf32, #tpu.memory_space<hbm>>) target_semaphore(%run_scoped3A : memref<!tpu.dma_semaphore, #tpu.memory_space<semaphore_mem>>)
      %dma_wait3A_331 = arith.constant 0 : i32
      %dma_wait3A_332 = tpu.memref_slice %arg14[%mul3A_2, %dma_wait3A_331] : memref<16384x32xf32, #tpu.memory_space<hbm>> -> memref<512x32xf32, #tpu.memory_space<hbm>>
      %dma_wait3A_333 = arith.constant 0 : i32
      %dma_wait3A_334 = tpu.memref_slice %arg14[%mul3A_2, %dma_wait3A_333] : memref<16384x32xf32, #tpu.memory_space<hbm>> -> memref<512x32xf32, #tpu.memory_space<hbm>>
      tpu.wait_dma2 semaphore(%run_scoped3A : memref<!tpu.dma_semaphore, #tpu.memory_space<semaphore_mem>>) src(%arg23 : memref<512x32xf32, #tpu.memory_space<vmem>>) dst(%dma_wait3A_334 : memref<512x32xf32, #tpu.memory_space<hbm>>)
      tpu.yield
    }) : () -> ()
    "tpu.region"() ({
      %run_scoped3A = tpu.sem_alloc : memref<!tpu.dma_semaphore, #tpu.memory_space<semaphore_mem>>
      %dma_start3A_327 = arith.constant 0 : i32
      %dma_start3A_328 = tpu.memref_slice %arg15[%mul3A_2, %dma_start3A_327] : memref<16384x32xf32, #tpu.memory_space<hbm>> -> memref<512x32xf32, #tpu.memory_space<hbm>>
      %dma_start3A_329 = arith.constant 0 : i32
      %dma_start3A_330 = tpu.memref_slice %arg15[%mul3A_2, %dma_start3A_329] : memref<16384x32xf32, #tpu.memory_space<hbm>> -> memref<512x32xf32, #tpu.memory_space<hbm>>
      tpu.enqueue_dma source(%arg27 : memref<512x32xf32, #tpu.memory_space<vmem>>) target(%dma_start3A_330 : memref<512x32xf32, #tpu.memory_space<hbm>>) target_semaphore(%run_scoped3A : memref<!tpu.dma_semaphore, #tpu.memory_space<semaphore_mem>>)
      %dma_wait3A_331 = arith.constant 0 : i32
      %dma_wait3A_332 = tpu.memref_slice %arg15[%mul3A_2, %dma_wait3A_331] : memref<16384x32xf32, #tpu.memory_space<hbm>> -> memref<512x32xf32, #tpu.memory_space<hbm>>
      %dma_wait3A_333 = arith.constant 0 : i32
      %dma_wait3A_334 = tpu.memref_slice %arg15[%mul3A_2, %dma_wait3A_333] : memref<16384x32xf32, #tpu.memory_space<hbm>> -> memref<512x32xf32, #tpu.memory_space<hbm>>
      tpu.wait_dma2 semaphore(%run_scoped3A : memref<!tpu.dma_semaphore, #tpu.memory_space<semaphore_mem>>) src(%arg27 : memref<512x32xf32, #tpu.memory_space<vmem>>) dst(%dma_wait3A_334 : memref<512x32xf32, #tpu.memory_space<hbm>>)
      tpu.yield
    }) : () -> ()
    "tpu.region"() ({
      %run_scoped3A = tpu.sem_alloc : memref<!tpu.dma_semaphore, #tpu.memory_space<semaphore_mem>>
      %dma_start3A_327 = arith.constant 0 : i32
      %dma_start3A_328 = tpu.memref_slice %arg16[%mul3A_2, %dma_start3A_327] : memref<16384x32xf32, #tpu.memory_space<hbm>> -> memref<512x32xf32, #tpu.memory_space<hbm>>
      %dma_start3A_329 = arith.constant 0 : i32
      %dma_start3A_330 = tpu.memref_slice %arg16[%mul3A_2, %dma_start3A_329] : memref<16384x32xf32, #tpu.memory_space<hbm>> -> memref<512x32xf32, #tpu.memory_space<hbm>>
      tpu.enqueue_dma source(%arg24 : memref<512x32xf32, #tpu.memory_space<vmem>>) target(%dma_start3A_330 : memref<512x32xf32, #tpu.memory_space<hbm>>) target_semaphore(%run_scoped3A : memref<!tpu.dma_semaphore, #tpu.memory_space<semaphore_mem>>)
      %dma_wait3A_331 = arith.constant 0 : i32
      %dma_wait3A_332 = tpu.memref_slice %arg16[%mul3A_2, %dma_wait3A_331] : memref<16384x32xf32, #tpu.memory_space<hbm>> -> memref<512x32xf32, #tpu.memory_space<hbm>>
      %dma_wait3A_333 = arith.constant 0 : i32
      %dma_wait3A_334 = tpu.memref_slice %arg16[%mul3A_2, %dma_wait3A_333] : memref<16384x32xf32, #tpu.memory_space<hbm>> -> memref<512x32xf32, #tpu.memory_space<hbm>>
      tpu.wait_dma2 semaphore(%run_scoped3A : memref<!tpu.dma_semaphore, #tpu.memory_space<semaphore_mem>>) src(%arg24 : memref<512x32xf32, #tpu.memory_space<vmem>>) dst(%dma_wait3A_334 : memref<512x32xf32, #tpu.memory_space<hbm>>)
      tpu.yield
    }) : () -> ()
    return
  }
}

module attributes {stable_mosaic.version = 14 : i64} {
  func.func @_mlp_body(%arg0: i32, %arg1: memref<512x32xf32, #tpu.memory_space<vmem>>, %arg2: memref<512x32xf32, #tpu.memory_space<vmem>>, %arg3: memref<512x32xf32, #tpu.memory_space<vmem>>, %arg4: memref<512x32xf32, #tpu.memory_space<vmem>>, %arg5: memref<512x32xf32, #tpu.memory_space<vmem>>, %arg6: memref<512x4xf32, #tpu.memory_space<vmem>>, %arg7: memref<512x768xf32, #tpu.memory_space<vmem>>, %arg8: memref<32x128xf32, #tpu.memory_space<vmem>>, %arg9: memref<32x128xf32, #tpu.memory_space<vmem>>, %arg10: memref<32x128xf32, #tpu.memory_space<vmem>>, %arg11: memref<32x128xf32, #tpu.memory_space<vmem>>, %arg12: memref<32x128xf32, #tpu.memory_space<vmem>>, %arg13: memref<4x128xf32, #tpu.memory_space<vmem>>, %arg14: memref<768x128xf32, #tpu.memory_space<vmem>>, %arg15: memref<1x128xf32, #tpu.memory_space<vmem>>, %arg16: memref<128x64xf32, #tpu.memory_space<vmem>>, %arg17: memref<1x64xf32, #tpu.memory_space<vmem>>, %arg18: memref<1x64xf32, #tpu.memory_space<vmem>>, %arg19: memref<1x4xf32, #tpu.memory_space<vmem>>, %arg20: memref<512xf32, #tpu.memory_space<vmem>>) attributes {dimension_semantics = [#tpu.dimension_semantics<arbitrary>], iteration_bounds = array<i64: 32>, scalar_prefetch = 0 : i64, scratch_operands = 0 : i64, tpu.core_type = #tpu.core_type<tc>, window_params = [{transform_indices = @transform_0, window_bounds = array<i64: 512, 32>}, {transform_indices = @transform_1, window_bounds = array<i64: 512, 32>}, {transform_indices = @transform_2, window_bounds = array<i64: 512, 32>}, {transform_indices = @transform_3, window_bounds = array<i64: 512, 32>}, {transform_indices = @transform_4, window_bounds = array<i64: 512, 32>}, {transform_indices = @transform_5, window_bounds = array<i64: 512, 4>}, {transform_indices = @transform_6, window_bounds = array<i64: 512, 768>}, {pipeline_mode = #tpu.pipeline_mode<synchronous>, transform_indices = @transform_7, window_bounds = array<i64: 32, 128>}, {pipeline_mode = #tpu.pipeline_mode<synchronous>, transform_indices = @transform_8, window_bounds = array<i64: 32, 128>}, {pipeline_mode = #tpu.pipeline_mode<synchronous>, transform_indices = @transform_9, window_bounds = array<i64: 32, 128>}, {pipeline_mode = #tpu.pipeline_mode<synchronous>, transform_indices = @transform_10, window_bounds = array<i64: 32, 128>}, {pipeline_mode = #tpu.pipeline_mode<synchronous>, transform_indices = @transform_11, window_bounds = array<i64: 32, 128>}, {pipeline_mode = #tpu.pipeline_mode<synchronous>, transform_indices = @transform_12, window_bounds = array<i64: 4, 128>}, {pipeline_mode = #tpu.pipeline_mode<synchronous>, transform_indices = @transform_13, window_bounds = array<i64: 768, 128>}, {pipeline_mode = #tpu.pipeline_mode<synchronous>, transform_indices = @transform_14, window_bounds = array<i64: 1, 128>}, {pipeline_mode = #tpu.pipeline_mode<synchronous>, transform_indices = @transform_15, window_bounds = array<i64: 128, 64>}, {pipeline_mode = #tpu.pipeline_mode<synchronous>, transform_indices = @transform_16, window_bounds = array<i64: 1, 64>}, {pipeline_mode = #tpu.pipeline_mode<synchronous>, transform_indices = @transform_17, window_bounds = array<i64: 1, 64>}, {pipeline_mode = #tpu.pipeline_mode<synchronous>, transform_indices = @transform_18, window_bounds = array<i64: 1, 4>}, {transform_indices = @transform_19, window_bounds = array<i64: 512>}]} {
    %get3A = arith.constant 0 : index
    %get3A_0 = arith.constant 0 : index
    %get3A_1 = vector.load %arg6[%get3A, %get3A_0] : memref<512x4xf32, #tpu.memory_space<vmem>>, vector<512x4xf32>
    %get3A_2 = arith.constant 0 : index
    %get3A_3 = arith.constant 0 : index
    %get3A_4 = vector.load %arg7[%get3A_2, %get3A_3] : memref<512x768xf32, #tpu.memory_space<vmem>>, vector<512x768xf32>
    %get3A_5 = arith.constant 0 : index
    %get3A_6 = arith.constant 0 : index
    %get3A_7 = vector.load %arg14[%get3A_5, %get3A_6] : memref<768x128xf32, #tpu.memory_space<vmem>>, vector<768x128xf32>
    %dot_general3A = arith.constant dense<0.000000e+00> : vector<512x128xf32>
    %dot_general3A_8 = tpu.matmul %get3A_4, %get3A_7, %dot_general3A {dimension_numbers = #tpu.dot_dimension_numbers<[1], [0], [0], [1], [0, 0, 1, 1], [], []>, transpose_lhs_hint = false} : vector<512x768xf32>, vector<768x128xf32>, vector<512x128xf32> -> vector<512x128xf32>
    %get3A_9 = arith.constant 0 : index
    %get3A_10 = arith.constant 0 : index
    %get3A_11 = vector.load %arg1[%get3A_9, %get3A_10] : memref<512x32xf32, #tpu.memory_space<vmem>>, vector<512x32xf32>
    %get3A_12 = arith.constant 0 : index
    %get3A_13 = arith.constant 0 : index
    %get3A_14 = vector.load %arg8[%get3A_12, %get3A_13] : memref<32x128xf32, #tpu.memory_space<vmem>>, vector<32x128xf32>
    %dot_general3A_15 = arith.constant dense<0.000000e+00> : vector<512x128xf32>
    %dot_general3A_16 = tpu.matmul %get3A_11, %get3A_14, %dot_general3A_15 {dimension_numbers = #tpu.dot_dimension_numbers<[1], [0], [0], [1], [0, 0, 1, 1], [], []>, transpose_lhs_hint = false} : vector<512x32xf32>, vector<32x128xf32>, vector<512x128xf32> -> vector<512x128xf32>
    %add3A = arith.addf %dot_general3A_8, %dot_general3A_16 : vector<512x128xf32>
    %get3A_17 = arith.constant 0 : index
    %get3A_18 = arith.constant 0 : index
    %get3A_19 = vector.load %arg2[%get3A_17, %get3A_18] : memref<512x32xf32, #tpu.memory_space<vmem>>, vector<512x32xf32>
    %get3A_20 = arith.constant 0 : index
    %get3A_21 = arith.constant 0 : index
    %get3A_22 = vector.load %arg9[%get3A_20, %get3A_21] : memref<32x128xf32, #tpu.memory_space<vmem>>, vector<32x128xf32>
    %dot_general3A_23 = arith.constant dense<0.000000e+00> : vector<512x128xf32>
    %dot_general3A_24 = tpu.matmul %get3A_19, %get3A_22, %dot_general3A_23 {dimension_numbers = #tpu.dot_dimension_numbers<[1], [0], [0], [1], [0, 0, 1, 1], [], []>, transpose_lhs_hint = false} : vector<512x32xf32>, vector<32x128xf32>, vector<512x128xf32> -> vector<512x128xf32>
    %add3A_25 = arith.addf %add3A, %dot_general3A_24 : vector<512x128xf32>
    %get3A_26 = arith.constant 0 : index
    %get3A_27 = arith.constant 0 : index
    %get3A_28 = vector.load %arg3[%get3A_26, %get3A_27] : memref<512x32xf32, #tpu.memory_space<vmem>>, vector<512x32xf32>
    %get3A_29 = arith.constant 0 : index
    %get3A_30 = arith.constant 0 : index
    %get3A_31 = vector.load %arg10[%get3A_29, %get3A_30] : memref<32x128xf32, #tpu.memory_space<vmem>>, vector<32x128xf32>
    %dot_general3A_32 = arith.constant dense<0.000000e+00> : vector<512x128xf32>
    %dot_general3A_33 = tpu.matmul %get3A_28, %get3A_31, %dot_general3A_32 {dimension_numbers = #tpu.dot_dimension_numbers<[1], [0], [0], [1], [0, 0, 1, 1], [], []>, transpose_lhs_hint = false} : vector<512x32xf32>, vector<32x128xf32>, vector<512x128xf32> -> vector<512x128xf32>
    %add3A_34 = arith.addf %add3A_25, %dot_general3A_33 : vector<512x128xf32>
    %get3A_35 = arith.constant 0 : index
    %get3A_36 = arith.constant 0 : index
    %get3A_37 = vector.load %arg4[%get3A_35, %get3A_36] : memref<512x32xf32, #tpu.memory_space<vmem>>, vector<512x32xf32>
    %get3A_38 = arith.constant 0 : index
    %get3A_39 = arith.constant 0 : index
    %get3A_40 = vector.load %arg11[%get3A_38, %get3A_39] : memref<32x128xf32, #tpu.memory_space<vmem>>, vector<32x128xf32>
    %dot_general3A_41 = arith.constant dense<0.000000e+00> : vector<512x128xf32>
    %dot_general3A_42 = tpu.matmul %get3A_37, %get3A_40, %dot_general3A_41 {dimension_numbers = #tpu.dot_dimension_numbers<[1], [0], [0], [1], [0, 0, 1, 1], [], []>, transpose_lhs_hint = false} : vector<512x32xf32>, vector<32x128xf32>, vector<512x128xf32> -> vector<512x128xf32>
    %add3A_43 = arith.addf %add3A_34, %dot_general3A_42 : vector<512x128xf32>
    %get3A_44 = arith.constant 0 : index
    %get3A_45 = arith.constant 0 : index
    %get3A_46 = vector.load %arg5[%get3A_44, %get3A_45] : memref<512x32xf32, #tpu.memory_space<vmem>>, vector<512x32xf32>
    %get3A_47 = arith.constant 0 : index
    %get3A_48 = arith.constant 0 : index
    %get3A_49 = vector.load %arg12[%get3A_47, %get3A_48] : memref<32x128xf32, #tpu.memory_space<vmem>>, vector<32x128xf32>
    %dot_general3A_50 = arith.constant dense<0.000000e+00> : vector<512x128xf32>
    %dot_general3A_51 = tpu.matmul %get3A_46, %get3A_49, %dot_general3A_50 {dimension_numbers = #tpu.dot_dimension_numbers<[1], [0], [0], [1], [0, 0, 1, 1], [], []>, transpose_lhs_hint = false} : vector<512x32xf32>, vector<32x128xf32>, vector<512x128xf32> -> vector<512x128xf32>
    %add3A_52 = arith.addf %add3A_43, %dot_general3A_51 : vector<512x128xf32>
    %get3A_53 = arith.constant 0 : index
    %get3A_54 = arith.constant 0 : index
    %get3A_55 = vector.load %arg13[%get3A_53, %get3A_54] : memref<4x128xf32, #tpu.memory_space<vmem>>, vector<4x128xf32>
    %dot_general3A_56 = arith.constant dense<0.000000e+00> : vector<512x128xf32>
    %dot_general3A_57 = tpu.matmul %get3A_1, %get3A_55, %dot_general3A_56 {dimension_numbers = #tpu.dot_dimension_numbers<[1], [0], [0], [1], [0, 0, 1, 1], [], []>, transpose_lhs_hint = false} : vector<512x4xf32>, vector<4x128xf32>, vector<512x128xf32> -> vector<512x128xf32>
    %add3A_58 = arith.addf %add3A_52, %dot_general3A_57 : vector<512x128xf32>
    %get3A_59 = arith.constant 0 : index
    %get3A_60 = arith.constant 0 : index
    %get3A_61 = vector.load %arg15[%get3A_59, %get3A_60] : memref<1x128xf32, #tpu.memory_space<vmem>>, vector<1x128xf32>
    %add3A_62 = vector.broadcast %get3A_61 : vector<1x128xf32> to vector<512x128xf32>
    %add3A_63 = arith.addf %add3A_58, %add3A_62 : vector<512x128xf32>
    %max3A = arith.constant 0.000000e+00 : f32
    %max3A_64 = vector.broadcast %max3A : f32 to vector<512x128xf32>
    %max3A_65 = arith.maximumf %add3A_63, %max3A_64 : vector<512x128xf32>
    %get3A_66 = arith.constant 0 : index
    %get3A_67 = arith.constant 0 : index
    %get3A_68 = vector.load %arg16[%get3A_66, %get3A_67] : memref<128x64xf32, #tpu.memory_space<vmem>>, vector<128x64xf32>
    %dot_general3A_69 = arith.constant dense<0.000000e+00> : vector<512x64xf32>
    %dot_general3A_70 = tpu.matmul %max3A_65, %get3A_68, %dot_general3A_69 {dimension_numbers = #tpu.dot_dimension_numbers<[1], [0], [0], [1], [0, 0, 1, 1], [], []>, transpose_lhs_hint = false} : vector<512x128xf32>, vector<128x64xf32>, vector<512x64xf32> -> vector<512x64xf32>
    %get3A_71 = arith.constant 0 : index
    %get3A_72 = arith.constant 0 : index
    %get3A_73 = vector.load %arg17[%get3A_71, %get3A_72] : memref<1x64xf32, #tpu.memory_space<vmem>>, vector<1x64xf32>
    %add3A_74 = vector.broadcast %get3A_73 : vector<1x64xf32> to vector<512x64xf32>
    %add3A_75 = arith.addf %dot_general3A_70, %add3A_74 : vector<512x64xf32>
    %max3A_76 = arith.constant 0.000000e+00 : f32
    %max3A_77 = vector.broadcast %max3A_76 : f32 to vector<512x64xf32>
    %max3A_78 = arith.maximumf %add3A_75, %max3A_77 : vector<512x64xf32>
    %get3A_79 = arith.constant 0 : index
    %get3A_80 = arith.constant 0 : index
    %get3A_81 = vector.load %arg18[%get3A_79, %get3A_80] : memref<1x64xf32, #tpu.memory_space<vmem>>, vector<1x64xf32>
    %mul3A = vector.broadcast %get3A_81 : vector<1x64xf32> to vector<512x64xf32>
    %mul3A_82 = arith.mulf %max3A_78, %mul3A : vector<512x64xf32>
    %reduce_sum3A = arith.constant dense<0.000000e+00> : vector<512xf32>
    %reduce_sum3A_83 = vector.multi_reduction <add>, %mul3A_82, %reduce_sum3A [1] : vector<512x64xf32> to vector<512xf32>
    %get3A_84 = arith.constant 0 : index
    %get3A_85 = arith.constant 0 : index
    %get3A_86 = vector.load %arg19[%get3A_84, %get3A_85] : memref<1x4xf32, #tpu.memory_space<vmem>>, vector<1x4xf32>
    %mul3A_87 = vector.broadcast %get3A_86 : vector<1x4xf32> to vector<512x4xf32>
    %mul3A_88 = arith.mulf %get3A_1, %mul3A_87 : vector<512x4xf32>
    %reduce_sum3A_89 = arith.constant dense<0.000000e+00> : vector<512xf32>
    %reduce_sum3A_90 = vector.multi_reduction <add>, %mul3A_88, %reduce_sum3A_89 [1] : vector<512x4xf32> to vector<512xf32>
    %add3A_91 = arith.addf %reduce_sum3A_83, %reduce_sum3A_90 : vector<512xf32>
    %swap3A = arith.constant 0 : index
    %swap3A_92 = vector.load %arg20[%swap3A] : memref<512xf32, #tpu.memory_space<vmem>>, vector<512xf32>
    tpu.vector_store %arg20[%swap3A], %add3A_91 {strides = array<i32>} : memref<512xf32, #tpu.memory_space<vmem>>, vector<512xf32>,
    return
  }
  func.func @transform_0(%arg0: i32) -> (i32, i32) {
    %c0_i32 = arith.constant 0 : i32
    %c0_i32_0 = arith.constant 0 : i32
    return %arg0, %c0_i32 : i32, i32
  }
  func.func @transform_1(%arg0: i32) -> (i32, i32) {
    %c0_i32 = arith.constant 0 : i32
    %c0_i32_0 = arith.constant 0 : i32
    return %arg0, %c0_i32 : i32, i32
  }
  func.func @transform_2(%arg0: i32) -> (i32, i32) {
    %c0_i32 = arith.constant 0 : i32
    %c0_i32_0 = arith.constant 0 : i32
    return %arg0, %c0_i32 : i32, i32
  }
  func.func @transform_3(%arg0: i32) -> (i32, i32) {
    %c0_i32 = arith.constant 0 : i32
    %c0_i32_0 = arith.constant 0 : i32
    return %arg0, %c0_i32 : i32, i32
  }
  func.func @transform_4(%arg0: i32) -> (i32, i32) {
    %c0_i32 = arith.constant 0 : i32
    %c0_i32_0 = arith.constant 0 : i32
    return %arg0, %c0_i32 : i32, i32
  }
  func.func @transform_5(%arg0: i32) -> (i32, i32) {
    %c0_i32 = arith.constant 0 : i32
    %c0_i32_0 = arith.constant 0 : i32
    return %arg0, %c0_i32 : i32, i32
  }
  func.func @transform_6(%arg0: i32) -> (i32, i32) {
    %c0_i32 = arith.constant 0 : i32
    %c0_i32_0 = arith.constant 0 : i32
    return %arg0, %c0_i32 : i32, i32
  }
  func.func @transform_7(%arg0: i32) -> (i32, i32) {
    %c0_i32 = arith.constant 0 : i32
    %c0_i32_0 = arith.constant 0 : i32
    %c0_i32_1 = arith.constant 0 : i32
    return %c0_i32, %c0_i32_0 : i32, i32
  }
  func.func @transform_8(%arg0: i32) -> (i32, i32) {
    %c0_i32 = arith.constant 0 : i32
    %c0_i32_0 = arith.constant 0 : i32
    %c0_i32_1 = arith.constant 0 : i32
    return %c0_i32, %c0_i32_0 : i32, i32
  }
  func.func @transform_9(%arg0: i32) -> (i32, i32) {
    %c0_i32 = arith.constant 0 : i32
    %c0_i32_0 = arith.constant 0 : i32
    %c0_i32_1 = arith.constant 0 : i32
    return %c0_i32, %c0_i32_0 : i32, i32
  }
  func.func @transform_10(%arg0: i32) -> (i32, i32) {
    %c0_i32 = arith.constant 0 : i32
    %c0_i32_0 = arith.constant 0 : i32
    %c0_i32_1 = arith.constant 0 : i32
    return %c0_i32, %c0_i32_0 : i32, i32
  }
  func.func @transform_11(%arg0: i32) -> (i32, i32) {
    %c0_i32 = arith.constant 0 : i32
    %c0_i32_0 = arith.constant 0 : i32
    %c0_i32_1 = arith.constant 0 : i32
    return %c0_i32, %c0_i32_0 : i32, i32
  }
  func.func @transform_12(%arg0: i32) -> (i32, i32) {
    %c0_i32 = arith.constant 0 : i32
    %c0_i32_0 = arith.constant 0 : i32
    %c0_i32_1 = arith.constant 0 : i32
    return %c0_i32, %c0_i32_0 : i32, i32
  }
  func.func @transform_13(%arg0: i32) -> (i32, i32) {
    %c0_i32 = arith.constant 0 : i32
    %c0_i32_0 = arith.constant 0 : i32
    %c0_i32_1 = arith.constant 0 : i32
    return %c0_i32, %c0_i32_0 : i32, i32
  }
  func.func @transform_14(%arg0: i32) -> (i32, i32) {
    %c0_i32 = arith.constant 0 : i32
    %c0_i32_0 = arith.constant 0 : i32
    %c0_i32_1 = arith.constant 0 : i32
    return %c0_i32, %c0_i32_0 : i32, i32
  }
  func.func @transform_15(%arg0: i32) -> (i32, i32) {
    %c0_i32 = arith.constant 0 : i32
    %c0_i32_0 = arith.constant 0 : i32
    %c0_i32_1 = arith.constant 0 : i32
    return %c0_i32, %c0_i32_0 : i32, i32
  }
  func.func @transform_16(%arg0: i32) -> (i32, i32) {
    %c0_i32 = arith.constant 0 : i32
    %c0_i32_0 = arith.constant 0 : i32
    %c0_i32_1 = arith.constant 0 : i32
    return %c0_i32, %c0_i32_0 : i32, i32
  }
  func.func @transform_17(%arg0: i32) -> (i32, i32) {
    %c0_i32 = arith.constant 0 : i32
    %c0_i32_0 = arith.constant 0 : i32
    %c0_i32_1 = arith.constant 0 : i32
    return %c0_i32, %c0_i32_0 : i32, i32
  }
  func.func @transform_18(%arg0: i32) -> (i32, i32) {
    %c0_i32 = arith.constant 0 : i32
    %c0_i32_0 = arith.constant 0 : i32
    %c0_i32_1 = arith.constant 0 : i32
    return %c0_i32, %c0_i32_0 : i32, i32
  }
  func.func @transform_19(%arg0: i32) -> i32 {
    %c0_i32 = arith.constant 0 : i32
    return %arg0 : i32
  }
}

</mosaic_0001>

<sc_bundles>
// kernel: kernel.4.cloned.1.call-start
scs
__scs_entry_jumppad:
0x0: {  	(pc) =	sbr.rel $0x88, $3  }
0x1: {  	(tag) =	ssettag $0x0;
	lr =	simm.s32 $0x1  }
0x2: {  	[smem:$0x3F8A] =	sst lr;
	_ =	strace $0xD0000000  }
0x3: {  	_ = 	snop  }
0x4: {  	_ = 	snop  }
0x5: {  	_ = 	snop  }
0x6: {  	_ = 	snop  }
0x7: {  	_ = 	snop  }
__scs_overlays_trampoline_lowered:
0x8: {  	[smem:$0x3F99] =	sst s0  }
0x9: {  	[smem:$0x3F9A] =	sst s1  }
0xa: {  	[smem:$0x3F9B] =	sst s2  }
0xb: {  	[smem:$0x3F9C] =	sst s3  }
0xc: {  	[smem:$0x3F9D] =	sst s4  }
0xd: {  	[smem:$0x3F9E] =	sst s5  }
0xe: {  	[smem:$0x3F9F] =	sst s6  }
0xf: {  	[smem:$0x3FA0] =	sst s7  }
0x10: {  	[smem:$0x3FA1] =	sst s8  }
0x11: {  	[smem:$0x3FA2] =	sst s9;
	s0 =	simm.s32 @!p0 $0x0  }
0x12: {  	s1 =	sld [smem:$0x3F88];
	s0 =	simm.s32 @p0 $0x1  }
0x13: {  	[smem:$0x3FA3] =	sst s0;
	s0 =	simm.s32 @!p1 $0x0  }
0x14: {  	s2 =	sld [smem:$0x3F87];
	s0 =	simm.s32 @p1 $0x1  }
0x15: {  	[smem:$0x3FA4] =	sst s0;
	s0 =	simm.s32 @!p2 $0x0  }
0x16: {  	s3 =	sld [smem:$0x3FDB];
	s0 =	simm.s32 @p2 $0x1  }
0x17: {  	s4 =	simm.s32 $0x1BF5;
	[smem:$0x3FA6] =	sst s0  }
0x18: {  	s0 =	sld [smem:$0x3F89];
	_ =	swait.ge [sflag:s4], $0x0  }
0x19: {  	s7 =	sld [smem:$0x3F8A]  }
0x1a: {  	s8 =	sadd.s32 $0xFFFFE003, lr  }
0x1b: {  	s9 =	sadd.s32 $0xFFFFFEF7, lr;
	s5 =	simm.s32 $0xFFFFFFFF;
	p2 =	slt.u32 s8, $0xFFFFF086  }
0x1c: {  	p1 =	slt.u32 s9, $0xF7A;
	s5 =	simm.s32 @!p2 $0x0  }
0x1d: {  	s5 =	simm.s32 @p1 $0x1;
	p0 =	seq.s32 s7, s2  }
0x1e: {  	s7 =	smul.u32 @!p0 $0xF7A, s2;
	p2 =	seq.s32 @!p0 s5, $0x0  }
0x1f: {  	s9 =	smul.u32 $0xF7A, s1;
	s8 =	simm.s32 @!p0 $0x1BF5;
	p2 =	por !p2, p0  }
0x20: {  	[sflag:s8] =	ssyncset.s32 @!p0 $0xFFFFF086;
	s6 =	sadd.s32 @!p0 s3, s7;
	s7 =	simm.s32 @!p0 $0x108  }
0x21: {  	s3 =	sadd.s32 s3, s9;
	s6 =	sadd.s32 @!p0 $0x88, s6;
	s7 =	simm.s32 @p2 $0x1082  }
0x22: {  	[simem:s7], [sflag:s8] =	dma.local @!p0 [hbm:s6], $0xF7A  }
0x23: {  	s9 =	sor.u32 $0xD0000000, s2;
	s6 =	simm.s32 $0x108;
	_ =	swait.ge @!p0 [sflag:s8], $0x0  }
0x24: {  	s3 =	sadd.s32 $0x88, s3;
	s6 =	simm.s32 @!p1 $0x1082;
	[sflag:s4] =	ssyncset.s32 $0xFFFFF086  }
0x25: {  	[simem:s6], [sflag:s4] =	dma.local [hbm:s3], $0xF7A  }
0x26: {  	[smem:$0x3F8A] =	sst s1;
	(tag) =	ssettag s2;
	_ =	strace s9  }
0x27: {  	s1 =	sld [smem:$0x3F9A]  }
0x28: {  	s2 =	sld [smem:$0x3F9B]  }
0x29: {  	s4 =	sld [smem:$0x3F9D]  }
0x2a: {  	p0 =	seq.s32 s5, $0x0;
	s5 =	sld [smem:$0x3F9E]  }
0x2b: {  	s6 =	sld [smem:$0x3F9F]  }
0x2c: {  	s7 =	sld [smem:$0x3FA0]  }
0x2d: {  	s3 =	simm.s32 $0x108;
	s8 =	sld [smem:$0x3FA1]  }
0x2e: {  	s3 =	simm.s32 @!p0 $0x1082;
	s9 =	sld [smem:$0x3FA2]  }
0x2f: {  	lr =	sadd.s32 s0, s3;
	s0 =	sld [smem:$0x3F99]  }
0x30: {  	s3 =	sld [smem:$0x3F9C]  }
0x31: {  	[smem:$0x3FA5] =	sst s10  }
0x32: {  	s10 =	sld [smem:$0x3FA3];
	_ =	sdelay $0x3  }
0x33: {  	p0 =	seq.s32 s10, $0x1;
	s10 =	sld [smem:$0x3FA5];
	_ =	sdelay $0x3  }
0x34: {  	[smem:$0x3FA5] =	sst s10  }
0x35: {  	s10 =	sld [smem:$0x3FA4];
	_ =	sdelay $0x3  }
0x36: {  	p1 =	seq.s32 s10, $0x1;
	s10 =	sld [smem:$0x3FA5];
	_ =	sdelay $0x3  }
0x37: {  	[smem:$0x3FA5] =	sst s10  }
0x38: {  	s10 =	sld [smem:$0x3FA6]  }
0x39: {  	_ = 	snop;
	(pc) =	sbr.ind lr, $3  }
0x3a: {  	_ = 	snop  }
0x3b: {  	_ = 	snop  }
0x3c: {  	p2 =	seq.s32 s10, $0x1;
	s10 =	sld [smem:$0x3FA5]  }
0x3d: {  	_ =	shalt  }
0x3e: {  	_ =	shalt  }
0x3f: {  	_ =	shalt  }
0x40: {  	_ =	shalt  }
0x41: {  	_ =	shalt  }
0x42: {  	_ =	shalt  }
0x43: {  	_ =	shalt  }
0x44: {  	_ =	shalt  }
0x45: {  	_ =	shalt  }
0x46: {  	_ =	shalt  }
0x47: {  	_ =	shalt  }
0x48: {  	_ =	shalt  }
0x49: {  	_ =	shalt  }
0x4a: {  	_ =	shalt  }
0x4b: {  	_ =	shalt  }
0x4c: {  	_ =	shalt  }
0x4d: {  	_ =	shalt  }
0x4e: {  	_ =	shalt  }
0x4f: {  	_ =	shalt  }
0x50: {  	_ =	shalt  }
0x51: {  	_ =	shalt  }
0x52: {  	_ =	shalt  }
0x53: {  	_ =	shalt  }
0x54: {  	_ =	shalt  }
0x55: {  	_ =	shalt  }
0x56: {  	_ =	shalt  }
0x57: {  	_ =	shalt  }
0x58: {  	_ =	shalt  }
0x59: {  	_ =	shalt  }
0x5a: {  	_ =	shalt  }
0x5b: {  	_ =	shalt  }
0x5c: {  	_ =	shalt  }
0x5d: {  	_ =	shalt  }
0x5e: {  	_ =	shalt  }
0x5f: {  	_ =	shalt  }
0x60: {  	_ =	shalt  }
0x61: {  	_ =	shalt  }
0x62: {  	_ =	shalt  }
0x63: {  	_ =	shalt  }
0x64: {  	_ =	shalt  }
0x65: {  	_ =	shalt  }
0x66: {  	_ =	shalt  }
0x67: {  	_ =	shalt  }
0x68: {  	_ =	shalt  }
0x69: {  	_ =	shalt  }
0x6a: {  	_ =	shalt  }
0x6b: {  	_ =	shalt  }
0x6c: {  	_ =	shalt  }
0x6d: {  	_ =	shalt  }
0x6e: {  	_ =	shalt  }
0x6f: {  	_ =	shalt  }
0x70: {  	_ =	shalt  }
0x71: {  	_ =	shalt  }
0x72: {  	_ =	shalt  }
0x73: {  	_ =	shalt  }
0x74: {  	_ =	shalt  }
0x75: {  	_ =	shalt  }
0x76: {  	_ =	shalt  }
0x77: {  	_ =	shalt  }
0x78: {  	_ =	shalt  }
0x79: {  	_ =	shalt  }
0x7a: {  	_ =	shalt  }
0x7b: {  	_ =	shalt  }
0x7c: {  	_ =	shalt  }
0x7d: {  	_ =	shalt  }
0x7e: {  	_ =	shalt  }
0x7f: {  	_ =	shalt  }
0x80: {  	_ =	shalt  }
0x81: {  	_ =	shalt  }
0x82: {  	_ =	shalt  }
0x83: {  	_ =	shalt  }
0x84: {  	_ =	shalt  }
0x85: {  	_ =	shalt  }
0x86: {  	_ =	shalt  }
0x87: {  	_ =	shalt  }
.Lfunc_end0:
.L_simem_size_0:
called_computation_lowered:
.L_overlay_start_0:
0x88: {  	s2 =	sld [smem:$0x3FD9]  }
0x89: {  	s3 =	sld [smem:$0x3FFE];
	_ =	sdelay $0x1  }
0x8a: {  	s1 =	srdreg.scid  }
0x8b: {  	s0 =	sand.u32 $0x1, s1  }
0x8c: {  	s17 =	sshll.u32 s0, $0xA;
	s2 =	sadd.s32 s3, s2  }
0x8d: {  	s2 =	sadd.s32 s2, s17  }
0x8e: {  	[smem:$0x3FB1] =	sst s2  }
0x8f: {  	_ = 	snop  }
0x90: {  	s2 =	sld [smem:$0x3FC9]  }
0x91: {  	s18 =	sld [smem:$0x3FC8]  }
0x92: {  	s4 =	sld [smem:$0x3FC7]  }
0x93: {  	s5 =	sld [smem:$0x3FC5];
	(tm) =	ssettm $0x1  }
0x94: {  	s6 =	sld [smem:$0x3FFB];
	_ =	sdelay $0x3  }
0x95: {  	_ =	strace s6  }
0x96: {  	s6 =	sld [smem:$0x3FFC];
	_ =	sdelay $0x3  }
0x97: {  	_ =	strace s6  }
0x98: {  	s6 =	sld [smem:$0x3FFD];
	_ =	sdelay $0x3  }
0x99: {  	_ =	strace s6  }
0x9a: {  	_ =	strace $0x8FFFFFFF  }
0x9b: {  	s19 =	sld [smem:$0x3FDB];
	_ =	sdelay $0x1  }
0x9c: {  	s7 =	simm.s32 $_scs_section_size  }
0x9d: {  	s8 =	simm.s32 $_size__tile_overlayer_lowered;
	s9 =	simm.s32 $_tile_overlayer_lowered  }
0x9e: {  	s22 =	simm.s32 $0x1BFF;
	s21 =	sshll.u32 s9, $0x1;
	s6 =	sadd.s32 s7, s19  }
0x9f: {  	s10 =	simm.s32 $0x0;
	s20 =	sshll.u32 s8, $0x1;
	s8 =	sadd.s32 s21, s6  }
0xa0: {  	[timem:s10], [sflag:s22] =	dma.local [hbm:s8], s20  }
0xa1: {  	_ =	swait.ge [sflag:s22], s20  }
0xa2: {  	s7 =	ssub.s32 $0x0, s20;
	[sflag:s22] =	ssyncset.done $0x0  }
0xa3: {  	[sflag:s22] =	ssyncadd.s32 s7;
	_ =	sdelay $0x1  }
0xa4: {  	s23 =	simm.s32 $0x1B8B  }
0xa5: {  	_ =	swait.ge [sflag:s23], $0x1  }
0xa6: {  	[sflag:s23] =	ssyncset.done $0x0  }
0xa7: {  	s25 =	simm.s32 $0x1B8E;
	s24 =	sld [smem:$0x3FFE];
	[sflag:s23] =	ssyncadd.s32 $0xFFFFFFFF  }
0xa8: {  	s26 =	simm.s32 $execute0_lowered;
	[smem:$0x3FD2] =	sst s25  }
0xa9: {  	s8 =	sshll.u32 s26, $0x1;
	_ =	strace $0x80000046;
	[dreg:$0x1] =	wrdreg $0xFFFFFFFF  }
0xaa: {  	s28 =	simm.s32 $_size_execute0_lowered;
	s6 =	sadd.s32 s6, s8;
	[dreg:$0x0] =	wrdreg $0x0  }
0xab: {  	s8 =	sshll.u32 s28, $0x1;
	[dreg:$0x2] =	wrdreg s6  }
0xac: {  	[dreg:$0x3] =	wrdreg s8  }
0xad: {  	[dreg:$0x4] =	wrdreg $0xC0  }
0xae: {  	_ =	task [dreg:s10], $0x5FFFF  }
0xaf: {  	[dreg:$0x1] =	wrdreg $0xFFFFFFFF  }
0xb0: {  	[dreg:$0x0] =	wrdreg $0x60  }
0xb1: {  	[dreg:$0x2] =	wrdreg s2  }
0xb2: {  	[dreg:$0x3] =	wrdreg s18  }
0xb3: {  	[dreg:$0x4] =	wrdreg s4  }
0xb4: {  	[dreg:$0x5] =	wrdreg s5  }
0xb5: {  	[dreg:$0x6] =	wrdreg s24  }
0xb6: {  	[dreg:$0x7] =	wrdreg $0x9  }
0xb7: {  	_ =	task.clear_ibuf [dreg:s10], $0x8FFFF;
	_ =	strace $0x90000046  }
0xb8: {  	s29 =	simm.s32 $0x9;
	_ =	strace $0x80000048  }
0xb9: {  	_ =	swait.ge [sflag:s29], $0x1  }
0xba: {  	[sflag:s29] =	ssyncadd.s32 $0xFFFFFFFF  }
0xbb: {  	_ =	strace $0x90000048  }
0xbc: {  	_ =	sfence  }
0xbd: {  	s30 =	sld [smem:$0x0];
	_ =	sdelay $0x2  }
0xbe: {  	s31 =	sshll.u32 s1, $0xD;
	s1 =	sshrl.u32 s1, $0x2  }
0xbf: {  	s3 =	sand.u32 $0x4000, s31;
	s1 =	sadd.s32 s1, s30  }
0xc0: {  	s0 =	sor.u32 s3, s0;
	s1 =	sshll.u32 s1, $0x11  }
0xc1: {  	s0 =	sor.u32 s1, s0  }
0xc2: {  	s0 =	sadd.s32 $0x8F2B, s0  }
0xc3: {  	[sflag:s0] =	ssyncadd.remote.s32 $0x1  }
0xc4: {  	_ =	sfence.sel $0xFFFF  }
0xc5: {  	[dreg:$0x0] =	wrdreg $0xFFFFFFFF;
	(pc) =	sbr.abs _section_cstart, $3  }
0xc6: {  	[dreg:$0x1] =	wrdreg $0xFFFFFFFF  }
0xc7: {  	_ =	task.clear_ibuf [dreg:s10], $0x2FFFF;
	_ =	strace $0x9FFFFFFF  }
0xc8: {  	(tm) =	ssettm $0x7FFFFFFF  }
0xc9: {  	_ =	shalt  }
tec
execute0_lowered:
.L_overlay_start_1:
0x0: {  	(tag) =	ssettag $0x1  }
0x1: {  	s0 =	rddreg [dreg:$0x0]  }
0x2: {  	s1 =	rddreg [dreg:$0x1]  }
0x3: {  	s7 =	rddreg [dreg:$0x2]  }
0x4: {  	s8 =	rddreg [dreg:$0x3]  }
0x5: {  	s9 =	rddreg [dreg:$0x4]  }
0x6: {  	s2 =	stileid.u32;
	s3 =	srdreg.scid  }
0x7: {  	s19 =	simm.s32 $0x2;
	s21 =	simm.s32 $0x400;
	s22 =	simm.s32 $0x600  }
0x8: {  	s23 =	simm.s32 $0x13000;
	s24 =	simm.s32 $0x80;
	s28 =	simm.s32 $0xC800  }
0x9: {  	s31 =	simm.s32 $0x1AD00;
	s29 =	simm.s32 $0x0;
	s4 =	smul.u32 $0x3E8, s2  }
0xa: {  	s2 =	simm.s32 $0x0;
	s10 =	sand.u32 $0x1, s3;
	s3 =	sadd.s32 $0x1316800, s9  }
0xb: {  	s6 =	sadd.s32 $0x18A400, s9;
	s13 =	sadd.s32 $0xDA00, s9;
	[smem:$0x7FF] =	sst s2  }
0xc: {  	s11 =	sor.u32 s10, s4;
	_ =	strace $0x80000047;
	s4 =	sadd.s32 $0xF45E00, s9  }
0xd: {  	[dreg:$0x6] =	wrdreg s13;
	s10 =	ssub.s32 $0x2, s10;
	s5 =	smul.u32 $0x500, s11  }
0xe: {  	s25 =	sshll.u32 s11, $0xB;
	s26 =	sshrl.u32 s10, $0x1;
	s11 =	sshll.u32 s11, $0x6  }
0xf: {  	s18 =	ssub.s32 s10, s26;
	s0 =	sadd.s32 s0, s11;
	s30 =	sadd.s32 s1, s11  }
0x10: {  	s10 =	sadd.s32 s7, s11;
	s11 =	sadd.s32 s8, s11;
	s1 =	simm.s32 $0x4800  }
0x11: {  	s26 =	simm.s32 $0x1;
	s12 =	sadd.s32 s5, s9;
	[dreg:$0x7] =	wrdreg s0  }
0x12: {  	s5 =	sadd.s32 $0x1EC000, s9;
	s9 =	sadd.s32 s25, s9;
	[dreg:$0x8] =	wrdreg s30  }
0x13: {  	s18 =	smax.u32 s18, $0x1;
	s25 =	simm.s32 $0x800;
	s0 =	simm.s32 $0x8800  }
0x14: {  	v0 =	vlaneseq.u32;
	s12 =	sadd.s32 $0x3A00, s12;
	s13 =	sadd.s32 $0x4EA00, s9;
	s14 =	sadd.s32 $0x3EA00, s9  }
0x15: {  	v0 =	vmul.u32 $0x20, v0;
	s15 =	sadd.s32 $0x2EA00, s9;
	s16 =	sadd.s32 $0x1EA00, s9;
	s17 =	sadd.s32 $0xEA00, s9  }
.LBB2_1:
0x16: {  	s7 =	rddreg [dreg:$0x7]  }
0x17: {  	[tilespmem:s2], [sflag:$0x2] =	stream.linear.gather [hbm4b:s7+s2], $0x200, $0x38;
	[tilespmem:$0x1ED00] =	vst v63  }
0x18: {  	_ =	swait.ge [sflag:s19], $0x200  }
0x19: {  	[sflag:s19] =	ssyncset.done $0x0  }
0x1a: {  	s8 =	simm.s32 $0x200;
	s9 =	rddreg [dreg:$0x8];
	[sflag:s19] =	ssyncadd.s32 $0xFFFFFE00  }
0x1b: {  	[tilespmem:s8], [sflag:$0x2] =	stream.linear.gather [hbm4b:s9+s2], $0x200, $0x38;
	[tilespmem:$0x1ED00] =	vst v63  }
0x1c: {  	_ =	swait.ge [sflag:s19], $0x200  }
0x1d: {  	[sflag:s19] =	ssyncset.done $0x0  }
0x1e: {  	[sflag:s19] =	ssyncadd.s32 $0xFFFFFE00  }
0x1f: {  	[tilespmem:s21], [sflag:$0x2] =	stream.linear.gather [hbm4b:s10+s2], $0x200, $0x38;
	[tilespmem:$0x1ED00] =	vst v63  }
0x20: {  	_ =	swait.ge [sflag:s19], $0x200  }
0x21: {  	[sflag:s19] =	ssyncset.done $0x0  }
0x22: {  	[sflag:s19] =	ssyncadd.s32 $0xFFFFFE00  }
0x23: {  	[tilespmem:s22], [sflag:$0x2] =	stream.linear.gather [hbm4b:s11+s2], $0x200, $0x38;
	[tilespmem:$0x1ED00] =	vst v63  }
0x24: {  	_ =	swait.ge [sflag:s19], $0x200  }
0x25: {  	[sflag:s19] =	ssyncset.done $0x0  }
0x26: {  	s30 =	simm.s32 $0x10800;
	[sflag:s19] =	ssyncadd.s32 $0xFFFFFE00  }
0x27: {  	[tilespmem:s30], [sflag:$0x2] =	stream.linear.gather [hbm4b:s12+s2], $0x2800, $0x38;
	[tilespmem:$0x1ED00] =	vst v63  }
0x28: {  	_ =	swait.ge [sflag:s19], $0x2800  }
0x29: {  	[sflag:s19] =	ssyncset.done $0x0  }
0x2a: {  	s20 =	rddreg [dreg:$0x6];
	[sflag:s19] =	ssyncadd.s32 $0xFFFFD800  }
0x2b: {  	[tilespmem:s23], [sflag:$0x2] =	stream.linear.gather [hbm4b:s20+s2], $0x7D00, $0x38;
	[tilespmem:$0x1ED00] =	vst v63  }
0x2c: {  	_ =	swait.ge [sflag:s19], $0x7D00  }
0x2d: {  	[sflag:s19] =	ssyncset.done $0x0  }
0x2e: {  	[sflag:s19] =	ssyncadd.s32 $0xFFFF8300  }
0x2f: {  	[tilespmem:s25], [sflag:$0x1] =	stream.indirect.gather [hbm4b:s3+s24], $0x20, s2, s24, $0xb8;
	[tilespmem:$0x1ED00] =	vst v63  }
0x30: {  	s9 =	simm.s32 $0x1800  }
0x31: {  	[tilespmem:s9], [sflag:$0x1] =	stream.indirect.gather [hbm4b:s3+s24], $0x20, s24, s24, $0xb8;
	[tilespmem:$0x1ED00] =	vst v63  }
0x32: {  	s20 =	simm.s32 $0x100;
	s9 =	simm.s32 $0x2800  }
0x33: {  	[tilespmem:s9], [sflag:$0x1] =	stream.indirect.gather [hbm4b:s3+s24], $0x20, s20, s24, $0xb8;
	[tilespmem:$0x1ED00] =	vst v63  }
0x34: {  	s9 =	simm.s32 $0x180;
	s20 =	simm.s32 $0x3800  }
0x35: {  	[tilespmem:s20], [sflag:$0x1] =	stream.indirect.gather [hbm4b:s3+s24], $0x20, s9, s24, $0xb8;
	[tilespmem:$0x1ED00] =	vst v63  }
0x36: {  	_ = 	snop  }
0x37: {  	[tilespmem:s1], [sflag:$0x1] =	stream.indirect.gather [hbm4b:s4+s24], $0x20, s8, s24, $0xb8;
	[tilespmem:$0x1ED00] =	vst v63  }
0x38: {  	s9 =	simm.s32 $0x280;
	s20 =	simm.s32 $0x5800  }
0x39: {  	[tilespmem:s20], [sflag:$0x1] =	stream.indirect.gather [hbm4b:s4+s24], $0x20, s9, s24, $0xb8;
	[tilespmem:$0x1ED00] =	vst v63  }
0x3a: {  	s9 =	simm.s32 $0x300;
	s20 =	simm.s32 $0x6800  }
0x3b: {  	[tilespmem:s20], [sflag:$0x1] =	stream.indirect.gather [hbm4b:s4+s24], $0x20, s9, s24, $0xb8;
	[tilespmem:$0x1ED00] =	vst v63  }
0x3c: {  	s9 =	simm.s32 $0x380;
	s20 =	simm.s32 $0x7800  }
0x3d: {  	[tilespmem:s20], [sflag:$0x1] =	stream.indirect.gather [hbm4b:s4+s24], $0x20, s9, s24, $0xb8;
	[tilespmem:$0x1ED00] =	vst v63  }
0x3e: {  	_ = 	snop  }
0x3f: {  	[tilespmem:s0], [sflag:$0x1] =	stream.indirect.gather [hbm4b:s5+s24], $0x20, s21, s24, $0xb8;
	[tilespmem:$0x1ED00] =	vst v63  }
0x40: {  	s9 =	simm.s32 $0x480;
	s20 =	simm.s32 $0x9800  }
0x41: {  	[tilespmem:s20], [sflag:$0x1] =	stream.indirect.gather [hbm4b:s5+s24], $0x20, s9, s24, $0xb8;
	[tilespmem:$0x1ED00] =	vst v63  }
0x42: {  	s9 =	simm.s32 $0x500;
	s20 =	simm.s32 $0xA800  }
0x43: {  	[tilespmem:s20], [sflag:$0x1] =	stream.indirect.gather [hbm4b:s5+s24], $0x20, s9, s24, $0xb8;
	[tilespmem:$0x1ED00] =	vst v63  }
0x44: {  	s9 =	simm.s32 $0x580;
	s20 =	simm.s32 $0xB800  }
0x45: {  	[tilespmem:s20], [sflag:$0x1] =	stream.indirect.gather [hbm4b:s5+s24], $0x20, s9, s24, $0xb8;
	[tilespmem:$0x1ED00] =	vst v63  }
0x46: {  	_ = 	snop  }
0x47: {  	[tilespmem:s28], [sflag:$0x1] =	stream.indirect.gather [hbm4b:s6+s24], $0x20, s22, s24, $0xb8;
	[tilespmem:$0x1ED00] =	vst v63  }
0x48: {  	s9 =	simm.s32 $0x680;
	s20 =	simm.s32 $0xD800  }
0x49: {  	[tilespmem:s20], [sflag:$0x1] =	stream.indirect.gather [hbm4b:s6+s24], $0x20, s9, s24, $0xb8;
	[tilespmem:$0x1ED00] =	vst v63  }
0x4a: {  	s9 =	simm.s32 $0x700;
	s20 =	simm.s32 $0xE800  }
0x4b: {  	[tilespmem:s20], [sflag:$0x1] =	stream.indirect.gather [hbm4b:s6+s24], $0x20, s9, s24, $0xb8;
	[tilespmem:$0x1ED00] =	vst v63  }
0x4c: {  	s7 =	simm.s32 $0x0;
	s9 =	simm.s32 $0x780;
	s20 =	simm.s32 $0xF800  }
0x4d: {  	[tilespmem:s20], [sflag:$0x1] =	stream.indirect.gather [hbm4b:s6+s24], $0x20, s9, s24, $0xb8;
	[tilespmem:$0x1ED00] =	vst v63  }
.LBB2_2:
0x4e: {  	v1 =	vmov s30;
	_ =	sdelay $0x3  }
0x4f: {  	s8 =	simm.s32 $0x0  }
0x50: {  	v3 =	vld.idx.msk [tilespmem:v1+s8+$0x0 ss:$0x1], $0xffff;
	_ =	sdelay $0x4  }
0x51: {  	v2 =	vimm.f32 $0.0e+00;
	v3 =	vshll.u32 v3, $0x5  }
0x52: {  	v17 =	vimm.f32 $0.0e+00;
	v15 =	vimm.f32 $0.0e+00;
	v6 =	vor.u32 $0xF, v3  }
0x53: {  	v16 =	vimm.f32 $0.0e+00;
	v13 =	vimm.f32 $0.0e+00;
	v4 =	vor.u32 $0x1, v3  }
0x54: {  	v14 =	vimm.f32 $0.0e+00;
	v8 =	vimm.f32 $0.0e+00;
	v5 =	vor.u32 $0x2, v3  }
0x55: {  	v11 =	vimm.f32 $0.0e+00;
	v9 =	vimm.f32 $0.0e+00;
	v7 =	vor.u32 $0x3, v3  }
0x56: {  	v10 =	vimm.f32 $0.0e+00;
	v12 =	vor.u32 $0x4, v3;
	v28 =	vor.u32 $0x5, v3;
	v26 =	vld.idx.msk [tilespmem:v3+s23+$0x0], $0xffff  }
0x57: {  	v27 =	vor.u32 $0x6, v3;
	v25 =	vor.u32 $0x7, v3;
	v23 =	vor.u32 $0x8, v3;
	v29 =	vld.idx.msk [tilespmem:v6+s23+$0x0], $0xffff  }
0x58: {  	v24 =	vor.u32 $0x9, v3;
	v22 =	vor.u32 $0xA, v3;
	v21 =	vor.u32 $0xB, v3;
	v30 =	vld.idx.msk [tilespmem:v4+s23+$0x0], $0xffff  }
0x59: {  	v20 =	vor.u32 $0xC, v3;
	v19 =	vor.u32 $0xD, v3;
	v18 =	vor.u32 $0xE, v3;
	v31 =	vld.idx.msk [tilespmem:v5+s23+$0x0], $0xffff  }
0x5a: {  	v3 =	vimm.f32 $0.0e+00;
	v32 =	vld.idx.msk [tilespmem:v7+s23+$0x0], $0xffff;
	v5 =	vimm.f32 $0.0e+00;
	v6 =	vimm.f32 $0.0e+00  }
0x5b: {  	s20 =	simm.s32 $0x200;
	s9 =	simm.s32 $0x1000;
	s8 =	sshll.u32 s7, $0x4;
	v4 =	vimm.f32 $0.0e+00;
	v33 =	vld.idx.msk [tilespmem:v12+s23+$0x0], $0xffff;
	v12 =	vimm.f32 $0.0e+00;
	v7 =	vimm.f32 $0.0e+00  }
.LBB2_3:
0x5c: {  	p0 =	sne.s32 s9, $0x9800;
	v34 =	vld.idx.msk [tilespmem:v1+s20+$0x0 ss:$0x1], $0xffff;
	v2 =	vadd.f32 v26, v2  }
0x5d: {  	v17 =	vadd.f32 v29, v17;
	v35 =	vld.idx.msk [tilespmem:v28+s23+$0x0], $0xffff  }
0x5e: {  	v15 =	vadd.f32 v30, v15;
	v30 =	vld.idx.msk [tilespmem:v27+s23+$0x0], $0xffff  }
0x5f: {  	v16 =	vadd.f32 v31, v16;
	v31 =	vld.idx.msk [tilespmem:v25+s23+$0x0], $0xffff  }
0x60: {  	v13 =	vadd.f32 v32, v13;
	v32 =	vld.idx.msk [tilespmem:v23+s23+$0x0], $0xffff  }
0x61: {  	v14 =	vadd.f32 v33, v14;
	v33 =	vld.idx.msk [tilespmem:v24+s23+$0x0], $0xffff  }
0x62: {  	v29 =	vshll.u32 v34, $0x5;
	v34 =	vld.idx.msk [tilespmem:v22+s23+$0x0], $0xffff  }
0x63: {  	v36 =	vor.u32 $0x1, v29;
	v37 =	vor.u32 $0x2, v29;
	v38 =	vor.u32 $0xF, v29;
	v39 =	vld.idx.msk [tilespmem:v21+s23+$0x0], $0xffff  }
0x64: {  	v40 =	vor.u32 $0x3, v29;
	v41 =	vor.u32 $0x4, v29;
	v28 =	vor.u32 $0x5, v29;
	v42 =	vld.idx.msk [tilespmem:v20+s23+$0x0], $0xffff  }
0x65: {  	v27 =	vor.u32 $0x6, v29;
	v25 =	vor.u32 $0x7, v29;
	v23 =	vor.u32 $0x8, v29;
	v43 =	vld.idx.msk [tilespmem:v19+s23+$0x0], $0xffff  }
0x66: {  	v24 =	vor.u32 $0x9, v29;
	v22 =	vor.u32 $0xA, v29;
	v21 =	vor.u32 $0xB, v29;
	v44 =	vld.idx.msk [tilespmem:v18+s23+$0x0], $0xffff  }
0x67: {  	v20 =	vor.u32 $0xC, v29;
	v19 =	vor.u32 $0xD, v29;
	v18 =	vor.u32 $0xE, v29;
	v26 =	vld.idx.msk [tilespmem:v29+s23+$0x0], $0xffff  }
.Ltmp0:
0x68: {  	v8 =	vadd.f32 v35, v8;
	v11 =	vadd.f32 v30, v11;
	v29 =	vld.idx.msk [tilespmem:v38+s23+$0x0], $0xffff;
	(pc) =	sbr.rel @p0 .LBB2_3-.Ltmp0, $4  }
0x69: {  	v9 =	vadd.f32 v31, v9;
	v10 =	vadd.f32 v32, v10;
	v30 =	vld.idx.msk [tilespmem:v36+s23+$0x0], $0xffff  }
0x6a: {  	v5 =	vadd.f32 v33, v5;
	v6 =	vadd.f32 v34, v6;
	v31 =	vld.idx.msk [tilespmem:v37+s23+$0x0], $0xffff  }
0x6b: {  	v4 =	vadd.f32 v39, v4;
	v12 =	vadd.f32 v42, v12;
	v32 =	vld.idx.msk [tilespmem:v40+s23+$0x0], $0xffff  }
0x6c: {  	s20 =	sshra.s32 s9, $0x2;
	s9 =	sadd.s32 $0x800, s9;
	v7 =	vadd.f32 v43, v7;
	v3 =	vadd.f32 v44, v3;
	v33 =	vld.idx.msk [tilespmem:v41+s23+$0x0], $0xffff  }
0x6d: {  	_ =	sdelay $0x3  }
0x6e: {  	v34 =	vld.idx.msk [tilespmem:v1+s20+$0x0 ss:$0x1], $0xffff  }
0x6f: {  	v28 =	vld.idx.msk [tilespmem:v28+s23+$0x0], $0xffff  }
0x70: {  	v27 =	vld.idx.msk [tilespmem:v27+s23+$0x0], $0xffff  }
0x71: {  	v25 =	vld.idx.msk [tilespmem:v25+s23+$0x0], $0xffff  }
0x72: {  	v23 =	vld.idx.msk [tilespmem:v23+s23+$0x0], $0xffff  }
0x73: {  	v24 =	vld.idx.msk [tilespmem:v24+s23+$0x0], $0xffff  }
0x74: {  	v22 =	vld.idx.msk [tilespmem:v22+s23+$0x0], $0xffff;
	v34 =	vshll.u32 v34, $0x5  }
0x75: {  	v21 =	vld.idx.msk [tilespmem:v21+s23+$0x0], $0xffff;
	v35 =	vor.u32 $0xF, v34  }
0x76: {  	v20 =	vld.idx.msk [tilespmem:v20+s23+$0x0], $0xffff;
	v36 =	vor.u32 $0x1, v34  }
0x77: {  	v19 =	vld.idx.msk [tilespmem:v19+s23+$0x0], $0xffff;
	v37 =	vor.u32 $0x2, v34  }
0x78: {  	v18 =	vld.idx.msk [tilespmem:v18+s23+$0x0], $0xffff;
	v38 =	vor.u32 $0x3, v34  }
0x79: {  	v39 =	vor.u32 $0x4, v34;
	v40 =	vld.idx.msk [tilespmem:v34+s23+$0x0], $0xffff  }
0x7a: {  	v41 =	vor.u32 $0x5, v34;
	v35 =	vld.idx.msk [tilespmem:v35+s23+$0x0], $0xffff  }
0x7b: {  	v26 =	vadd.f32 v26, v2;
	v42 =	vor.u32 $0x6, v34;
	v36 =	vld.idx.msk [tilespmem:v36+s23+$0x0], $0xffff  }
0x7c: {  	v17 =	vadd.f32 v29, v17;
	v15 =	vadd.f32 v30, v15;
	v2 =	vor.u32 $0x8, v34;
	v37 =	vld.idx.msk [tilespmem:v37+s23+$0x0], $0xffff  }
0x7d: {  	v16 =	vadd.f32 v31, v16;
	v13 =	vadd.f32 v32, v13;
	v43 =	vor.u32 $0x7, v34;
	v29 =	vld.idx.msk [tilespmem:v38+s23+$0x0], $0xffff  }
0x7e: {  	v14 =	vadd.f32 v33, v14;
	v8 =	vadd.f32 v28, v8;
	v30 =	vor.u32 $0x9, v34;
	v31 =	vld.idx.msk [tilespmem:v39+s23+$0x0], $0xffff  }
0x7f: {  	v11 =	vadd.f32 v27, v11;
	v9 =	vadd.f32 v25, v9;
	v52 =	vor.u32 $0xA, v34;
	v53 =	vld.idx.msk [tilespmem:v41+s23+$0x0], $0xffff  }
0x80: {  	v10 =	vadd.f32 v23, v10;
	v5 =	vadd.f32 v24, v5;
	v54 =	vor.u32 $0xB, v34;
	v42 =	vld.idx.msk [tilespmem:v42+s23+$0x0], $0xffff  }
0x81: {  	v6 =	vadd.f32 v22, v6;
	v55 =	vor.u32 $0xC, v34;
	v23 =	vld.idx.msk [tilespmem:v2+s23+$0x0], $0xffff;
	v2 =	vmov s8  }
0x82: {  	v4 =	vadd.f32 v21, v4;
	v56 =	vor.u32 $0xD, v34;
	v27 =	vld.idx.msk [tilespmem:v43+s23+$0x0], $0xffff;
	v2 =	vshll.u32 v2, $0x5  }
0x83: {  	v12 =	vadd.f32 v20, v12;
	v34 =	vor.u32 $0xE, v34;
	v22 =	vld.idx.msk [tilespmem:v30+s23+$0x0], $0xffff;
	v2 =	vor.u32 v0, v2  }
0x84: {  	v7 =	vadd.f32 v19, v7;
	v20 =	vld.idx.msk [tilespmem:v52+s23+$0x0], $0xffff;
	v24 =	vor.u32 $0x1, v2;
	v19 =	vadd.f32 v40, v26  }
0x85: {  	v3 =	vadd.f32 v18, v3;
	v21 =	vld.idx.msk [tilespmem:v54+s23+$0x0], $0xffff;
	v25 =	vor.u32 $0x2, v2;
	v15 =	vadd.f32 v36, v15  }
0x86: {  	v18 =	vld.idx.msk [tilespmem:v55+s23+$0x0], $0xffff;
	v28 =	vor.u32 $0x3, v2;
	v16 =	vadd.f32 v37, v16;
	v19 =	vmul.f32 $5.000000070e-02, v19  }
0x87: {  	v30 =	vor.u32 $0x4, v2;
	v26 =	vld.idx.msk [tilespmem:v56+s23+$0x0], $0xffff;
	v13 =	vadd.f32 v29, v13;
	v15 =	vmul.f32 $5.000000070e-02, v15  }
0x88: {  	v29 =	vld.idx.msk [tilespmem:v34+s23+$0x0], $0xffff;
	v14 =	vadd.f32 v31, v14;
	v16 =	vmul.f32 $5.000000070e-02, v16;
	[tilespmem:v2+s31+$0x0] =	vst.idx.msk $0xffff, v19;
	v19 =	vor.u32 $0x5, v2  }
0x89: {  	v8 =	vadd.f32 v53, v8;
	v13 =	vmul.f32 $5.000000070e-02, v13;
	[tilespmem:v24+s31+$0x0] =	vst.idx.msk $0xffff, v15;
	v15 =	vor.u32 $0x6, v2  }
0x8a: {  	v11 =	vadd.f32 v42, v11;
	v14 =	vmul.f32 $5.000000070e-02, v14;
	[tilespmem:v25+s31+$0x0] =	vst.idx.msk $0xffff, v16;
	v16 =	vor.u32 $0x7, v2  }
0x8b: {  	v9 =	vadd.f32 v27, v9;
	v8 =	vmul.f32 $5.000000070e-02, v8;
	[tilespmem:v28+s31+$0x0] =	vst.idx.msk $0xffff, v13;
	v13 =	vor.u32 $0x8, v2  }
0x8c: {  	v10 =	vadd.f32 v23, v10;
	v11 =	vmul.f32 $5.000000070e-02, v11;
	[tilespmem:v30+s31+$0x0] =	vst.idx.msk $0xffff, v14;
	v14 =	vor.u32 $0x9, v2  }
0x8d: {  	v5 =	vadd.f32 v22, v5;
	[tilespmem:v19+s31+$0x0] =	vst.idx.msk $0xffff, v8;
	v8 =	vmul.f32 $5.000000070e-02, v9;
	v9 =	vor.u32 $0xA, v2  }
0x8e: {  	v6 =	vadd.f32 v20, v6;
	v10 =	vmul.f32 $5.000000070e-02, v10;
	[tilespmem:v15+s31+$0x0] =	vst.idx.msk $0xffff, v11;
	v11 =	vor.u32 $0xB, v2  }
0x8f: {  	v4 =	vadd.f32 v21, v4;
	v5 =	vmul.f32 $5.000000070e-02, v5;
	[tilespmem:v16+s31+$0x0] =	vst.idx.msk $0xffff, v8;
	v8 =	vor.u32 $0xC, v2  }
0x90: {  	v12 =	vadd.f32 v18, v12;
	v6 =	vmul.f32 $5.000000070e-02, v6;
	[tilespmem:v13+s31+$0x0] =	vst.idx.msk $0xffff, v10;
	v10 =	vor.u32 $0xD, v2  }
0x91: {  	v4 =	vmul.f32 $5.000000070e-02, v4;
	v7 =	vadd.f32 v26, v7;
	[tilespmem:v14+s31+$0x0] =	vst.idx.msk $0xffff, v5;
	v5 =	vor.u32 $0xE, v2  }
0x92: {  	v3 =	vadd.f32 v29, v3;
	[tilespmem:v9+s31+$0x0] =	vst.idx.msk $0xffff, v6;
	v6 =	vmul.f32 $5.000000070e-02, v12;
	v9 =	vor.u32 $0xF, v2  }
0x93: {  	v12 =	vadd.f32 v35, v17;
	[tilespmem:v11+s31+$0x0] =	vst.idx.msk $0xffff, v4;
	v4 =	vmul.f32 $5.000000070e-02, v7  }
0x94: {  	v3 =	vmul.f32 $5.000000070e-02, v3;
	[tilespmem:v8+s31+$0x0] =	vst.idx.msk $0xffff, v6  }
0x95: {  	[tilespmem:v10+s31+$0x0] =	vst.idx.msk $0xffff, v4;
	v4 =	vmul.f32 $5.000000070e-02, v12  }
0x96: {  	[tilespmem:v5+s31+$0x0] =	vst.idx.msk $0xffff, v3  }
0x97: {  	s9 =	simm.s32 $0x0;
	[tilespmem:v9+s31+$0x0] =	vst.idx.msk $0xffff, v4  }
0x98: {  	v3 =	vld.idx.msk [tilespmem:v1+s9+$0x0 ss:$0x1], $0xffff;
	_ =	sdelay $0x4  }
0x99: {  	v4 =	vshll.u32 v3, $0x5  }
0x9a: {  	v3 =	vor.u32 $0x1F, v4  }
0x9b: {  	v5 =	vor.u32 $0x10, v4  }
0x9c: {  	v6 =	vor.u32 $0x11, v4  }
0x9d: {  	s20 =	simm.s32 $0x200;
	v7 =	vor.u32 $0x12, v4  }
0x9e: {  	v14 =	vld.idx.msk [tilespmem:v1+s20+$0x0 ss:$0x1], $0xffff;
	v8 =	vor.u32 $0x13, v4  }
0x9f: {  	v10 =	vor.u32 $0x15, v4;
	v9 =	vld.idx.msk [tilespmem:v3+s23+$0x0], $0xffff  }
0xa0: {  	v11 =	vor.u32 $0x16, v4;
	v5 =	vld.idx.msk [tilespmem:v5+s23+$0x0], $0xffff  }
0xa1: {  	v15 =	vor.u32 $0x19, v4;
	v6 =	vld.idx.msk [tilespmem:v6+s23+$0x0], $0xffff  }
0xa2: {  	v17 =	vor.u32 $0x1A, v4;
	v12 =	vld.idx.msk [tilespmem:v7+s23+$0x0], $0xffff  }
0xa3: {  	v18 =	vor.u32 $0x1B, v4;
	v13 =	vld.idx.msk [tilespmem:v8+s23+$0x0], $0xffff  }
0xa4: {  	v19 =	vor.u32 $0x1C, v4;
	v10 =	vld.idx.msk [tilespmem:v10+s23+$0x0], $0xffff  }
0xa5: {  	v3 =	vor.u32 $0x14, v4;
	v11 =	vld.idx.msk [tilespmem:v11+s23+$0x0], $0xffff  }
0xa6: {  	v8 =	vor.u32 $0x18, v4;
	v59 =	vld.idx.msk [tilespmem:v15+s23+$0x0], $0xffff  }
0xa7: {  	v21 =	vor.u32 $0x1D, v4;
	v17 =	vld.idx.msk [tilespmem:v17+s23+$0x0], $0xffff  }
0xa8: {  	v58 =	vshll.u32 v14, $0x5;
	v7 =	vor.u32 $0x17, v4;
	v18 =	vld.idx.msk [tilespmem:v18+s23+$0x0], $0xffff  }
0xa9: {  	v22 =	vor.u32 $0x1E, v4;
	v60 =	vor.u32 $0x12, v58;
	v61 =	vor.u32 $0x13, v58;
	v62 =	vld.idx.msk [tilespmem:v19+s23+$0x0], $0xffff  }
0xaa: {  	v31 =	vor.u32 $0x14, v58;
	v15 =	vor.u32 $0x11, v58;
	v16 =	vld.idx.msk [tilespmem:v3+s23+$0x0], $0xffff;
	v3 =	vimm.f32 $0.0e+00  }
0xab: {  	v29 =	vor.u32 $0x15, v58;
	v57 =	vld.idx.msk [tilespmem:v8+s23+$0x0], $0xffff;
	v4 =	vadd.f32 v9, v3;
	v9 =	vor.u32 $0x1F, v58  }
0xac: {  	v27 =	vor.u32 $0x16, v58;
	v63 =	vld.idx.msk [tilespmem:v21+s23+$0x0], $0xffff;
	v8 =	vadd.f32 v12, v3;
	v12 =	vor.u32 $0x10, v58  }
0xad: {  	v25 =	vor.u32 $0x17, v58;
	v26 =	vor.u32 $0x18, v58;
	v20 =	vld.idx.msk [tilespmem:v7+s23+$0x0], $0xffff;
	v7 =	vadd.f32 v5, v3  }
0xae: {  	v24 =	vor.u32 $0x19, v58;
	v30 =	vld.idx.msk [tilespmem:v22+s23+$0x0], $0xffff;
	v5 =	vadd.f32 v6, v3;
	v6 =	vadd.f32 v13, v3  }
0xaf: {  	v23 =	vor.u32 $0x1B, v58;
	v33 =	vld.idx.msk [tilespmem:v15+s23+$0x0], $0xffff;
	v14 =	vadd.f32 v11, v3;
	v11 =	vadd.f32 v59, v3  }
0xb0: {  	v22 =	vor.u32 $0x1A, v58;
	v13 =	vadd.f32 v16, v3;
	v15 =	vadd.f32 v57, v3;
	v28 =	vld.idx.msk [tilespmem:v9+s23+$0x0], $0xffff  }
0xb1: {  	v21 =	vor.u32 $0x1C, v58;
	v16 =	vadd.f32 v17, v3;
	v17 =	vadd.f32 v63, v3;
	v32 =	vld.idx.msk [tilespmem:v12+s23+$0x0], $0xffff  }
0xb2: {  	v19 =	vor.u32 $0x1D, v58;
	v34 =	vld.idx.msk [tilespmem:v60+s23+$0x0], $0xffff;
	v9 =	vadd.f32 v10, v3;
	v10 =	vadd.f32 v20, v3  }
0xb3: {  	s8 =	simm.s32 $0x1800;
	s9 =	simm.s32 $0x400;
	v35 =	vld.idx.msk [tilespmem:v61+s23+$0x0], $0xffff;
	v12 =	vadd.f32 v18, v3;
	v20 =	vor.u32 $0x1E, v58;
	v18 =	vadd.f32 v62, v3  }
.LBB2_5:
0xb4: {  	p0 =	sne.s32 s8, $0x9800;
	v36 =	vld.idx.msk [tilespmem:v1+s9+$0x0 ss:$0x1], $0xffff;
	v3 =	vadd.f32 v30, v3  }
0xb5: {  	v4 =	vadd.f32 v28, v4;
	v37 =	vld.idx.msk [tilespmem:v31+s23+$0x0], $0xffff  }
0xb6: {  	v7 =	vadd.f32 v32, v7;
	v32 =	vld.idx.msk [tilespmem:v29+s23+$0x0], $0xffff  }
0xb7: {  	v5 =	vadd.f32 v33, v5;
	v33 =	vld.idx.msk [tilespmem:v27+s23+$0x0], $0xffff  }
0xb8: {  	v8 =	vadd.f32 v34, v8;
	v34 =	vld.idx.msk [tilespmem:v25+s23+$0x0], $0xffff  }
0xb9: {  	v6 =	vadd.f32 v35, v6;
	v35 =	vld.idx.msk [tilespmem:v26+s23+$0x0], $0xffff  }
0xba: {  	v28 =	vshll.u32 v36, $0x5;
	v36 =	vld.idx.msk [tilespmem:v24+s23+$0x0], $0xffff  }
0xbb: {  	v38 =	vor.u32 $0x10, v28;
	v39 =	vor.u32 $0x11, v28;
	v40 =	vor.u32 $0x1F, v28;
	v41 =	vld.idx.msk [tilespmem:v22+s23+$0x0], $0xffff  }
0xbc: {  	v42 =	vor.u32 $0x12, v28;
	v43 =	vor.u32 $0x13, v28;
	v31 =	vor.u32 $0x14, v28;
	v44 =	vld.idx.msk [tilespmem:v23+s23+$0x0], $0xffff  }
0xbd: {  	v29 =	vor.u32 $0x15, v28;
	v27 =	vor.u32 $0x16, v28;
	v25 =	vor.u32 $0x17, v28;
	v45 =	vld.idx.msk [tilespmem:v21+s23+$0x0], $0xffff  }
0xbe: {  	v26 =	vor.u32 $0x18, v28;
	v24 =	vor.u32 $0x19, v28;
	v22 =	vor.u32 $0x1A, v28;
	v46 =	vld.idx.msk [tilespmem:v19+s23+$0x0], $0xffff  }
0xbf: {  	v23 =	vor.u32 $0x1B, v28;
	v21 =	vor.u32 $0x1C, v28;
	v19 =	vor.u32 $0x1D, v28;
	v30 =	vld.idx.msk [tilespmem:v20+s23+$0x0], $0xffff  }
.Ltmp1:
0xc0: {  	v13 =	vadd.f32 v37, v13;
	v9 =	vadd.f32 v32, v9;
	v20 =	vor.u32 $0x1E, v28;
	v28 =	vld.idx.msk [tilespmem:v40+s23+$0x0], $0xffff;
	(pc) =	sbr.rel @p0 .LBB2_5-.Ltmp1, $4  }
0xc1: {  	v14 =	vadd.f32 v33, v14;
	v10 =	vadd.f32 v34, v10;
	v32 =	vld.idx.msk [tilespmem:v38+s23+$0x0], $0xffff  }
0xc2: {  	v15 =	vadd.f32 v35, v15;
	v11 =	vadd.f32 v36, v11;
	v33 =	vld.idx.msk [tilespmem:v39+s23+$0x0], $0xffff  }
0xc3: {  	v16 =	vadd.f32 v41, v16;
	v12 =	vadd.f32 v44, v12;
	v34 =	vld.idx.msk [tilespmem:v42+s23+$0x0], $0xffff  }
0xc4: {  	s9 =	sshra.s32 s8, $0x2;
	s8 =	sadd.s32 $0x800, s8;
	v18 =	vadd.f32 v45, v18;
	v17 =	vadd.f32 v46, v17;
	v35 =	vld.idx.msk [tilespmem:v43+s23+$0x0], $0xffff  }
0xc5: {  	_ =	sdelay $0x3  }
0xc6: {  	v1 =	vld.idx.msk [tilespmem:v1+s9+$0x0 ss:$0x1], $0xffff  }
0xc7: {  	v31 =	vld.idx.msk [tilespmem:v31+s23+$0x0], $0xffff  }
0xc8: {  	v29 =	vld.idx.msk [tilespmem:v29+s23+$0x0], $0xffff  }
0xc9: {  	v27 =	vld.idx.msk [tilespmem:v27+s23+$0x0], $0xffff  }
0xca: {  	v25 =	vld.idx.msk [tilespmem:v25+s23+$0x0], $0xffff  }
0xcb: {  	v26 =	vld.idx.msk [tilespmem:v26+s23+$0x0], $0xffff  }
0xcc: {  	v24 =	vld.idx.msk [tilespmem:v24+s23+$0x0], $0xffff;
	v1 =	vshll.u32 v1, $0x5  }
0xcd: {  	v22 =	vld.idx.msk [tilespmem:v22+s23+$0x0], $0xffff;
	v36 =	vor.u32 $0x1F, v1  }
0xce: {  	v23 =	vld.idx.msk [tilespmem:v23+s23+$0x0], $0xffff;
	v37 =	vor.u32 $0x10, v1  }
0xcf: {  	v21 =	vld.idx.msk [tilespmem:v21+s23+$0x0], $0xffff;
	v38 =	vor.u32 $0x11, v1  }
0xd0: {  	v19 =	vld.idx.msk [tilespmem:v19+s23+$0x0], $0xffff;
	v39 =	vor.u32 $0x12, v1  }
0xd1: {  	v20 =	vld.idx.msk [tilespmem:v20+s23+$0x0], $0xffff;
	v40 =	vor.u32 $0x13, v1  }
0xd2: {  	v41 =	vor.u32 $0x14, v1;
	v36 =	vld.idx.msk [tilespmem:v36+s23+$0x0], $0xffff  }
0xd3: {  	v42 =	vor.u32 $0x15, v1;
	v37 =	vld.idx.msk [tilespmem:v37+s23+$0x0], $0xffff  }
0xd4: {  	v43 =	vor.u32 $0x16, v1;
	v38 =	vld.idx.msk [tilespmem:v38+s23+$0x0], $0xffff  }
0xd5: {  	v3 =	vadd.f32 v30, v3;
	v4 =	vadd.f32 v28, v4;
	v44 =	vor.u32 $0x17, v1;
	v39 =	vld.idx.msk [tilespmem:v39+s23+$0x0], $0xffff  }
0xd6: {  	v61 =	vor.u32 $0x10, v2;
	v63 =	vor.u32 $0x11, v2;
	v48 =	vor.u32 $0x18, v1;
	v40 =	vld.idx.msk [tilespmem:v40+s23+$0x0], $0xffff  }
0xd7: {  	v7 =	vadd.f32 v32, v7;
	v5 =	vadd.f32 v33, v5;
	v49 =	vor.u32 $0x19, v1;
	v50 =	vld.idx.msk [tilespmem:v41+s23+$0x0], $0xffff  }
0xd8: {  	v8 =	vadd.f32 v34, v8;
	v6 =	vadd.f32 v35, v6;
	v51 =	vor.u32 $0x1A, v1;
	v52 =	vld.idx.msk [tilespmem:v42+s23+$0x0], $0xffff  }
0xd9: {  	v13 =	vadd.f32 v31, v13;
	v9 =	vadd.f32 v29, v9;
	v53 =	vor.u32 $0x1B, v1;
	v54 =	vld.idx.msk [tilespmem:v43+s23+$0x0], $0xffff  }
0xda: {  	v14 =	vadd.f32 v27, v14;
	v10 =	vadd.f32 v25, v10;
	v55 =	vor.u32 $0x1C, v1;
	v56 =	vld.idx.msk [tilespmem:v44+s23+$0x0], $0xffff  }
0xdb: {  	v15 =	vadd.f32 v26, v15;
	v57 =	vor.u32 $0x1D, v1;
	v1 =	vor.u32 $0x1E, v1;
	v58 =	vld.idx.msk [tilespmem:v48+s23+$0x0], $0xffff  }
0xdc: {  	v45 =	vor.u32 $0x17, v2;
	v11 =	vadd.f32 v24, v11;
	v16 =	vadd.f32 v22, v16;
	v59 =	vld.idx.msk [tilespmem:v49+s23+$0x0], $0xffff  }
0xdd: {  	v47 =	vor.u32 $0x18, v2;
	v12 =	vadd.f32 v23, v12;
	v60 =	vld.idx.msk [tilespmem:v51+s23+$0x0], $0xffff;
	v7 =	vadd.f32 v37, v7  }
0xde: {  	v35 =	vor.u32 $0x12, v2;
	v18 =	vadd.f32 v21, v18;
	v62 =	vld.idx.msk [tilespmem:v53+s23+$0x0], $0xffff;
	v5 =	vadd.f32 v38, v5  }
0xdf: {  	v33 =	vld.idx.msk [tilespmem:v55+s23+$0x0], $0xffff;
	v8 =	vadd.f32 v39, v8;
	v38 =	vor.u32 $0x13, v2;
	v7 =	vmul.f32 $5.000000070e-02, v7  }
0xe0: {  	v1 =	vld.idx.msk [tilespmem:v1+s23+$0x0], $0xffff;
	v6 =	vadd.f32 v40, v6;
	v39 =	vor.u32 $0x14, v2;
	v5 =	vmul.f32 $5.000000070e-02, v5  }
0xe1: {  	v41 =	vor.u32 $0x15, v2;
	v37 =	vld.idx.msk [tilespmem:v57+s23+$0x0], $0xffff;
	v13 =	vadd.f32 v50, v13;
	v40 =	vmul.f32 $5.000000070e-02, v8;
	[tilespmem:v61+s31+$0x0] =	vst.idx.msk $0xffff, v7  }
0xe2: {  	v43 =	vor.u32 $0x16, v2;
	v9 =	vadd.f32 v52, v9;
	v42 =	vmul.f32 $5.000000070e-02, v6;
	[tilespmem:v63+s31+$0x0] =	vst.idx.msk $0xffff, v5  }
0xe3: {  	v17 =	vadd.f32 v19, v17;
	v14 =	vadd.f32 v54, v14;
	v44 =	vmul.f32 $5.000000070e-02, v13;
	[tilespmem:v35+s31+$0x0] =	vst.idx.msk $0xffff, v40  }
0xe4: {  	v3 =	vadd.f32 v20, v3;
	v10 =	vadd.f32 v56, v10;
	v46 =	vmul.f32 $5.000000070e-02, v9;
	[tilespmem:v38+s31+$0x0] =	vst.idx.msk $0xffff, v42  }
0xe5: {  	v49 =	vor.u32 $0x19, v2;
	v15 =	vadd.f32 v58, v15;
	v48 =	vmul.f32 $5.000000070e-02, v14;
	[tilespmem:v39+s31+$0x0] =	vst.idx.msk $0xffff, v44  }
0xe6: {  	v51 =	vor.u32 $0x1A, v2;
	v11 =	vadd.f32 v59, v11;
	v50 =	vmul.f32 $5.000000070e-02, v10;
	[tilespmem:v41+s31+$0x0] =	vst.idx.msk $0xffff, v46  }
0xe7: {  	v52 =	vadd.f32 v60, v16;
	v54 =	vor.u32 $0x1B, v2;
	v53 =	vmul.f32 $5.000000070e-02, v15;
	[tilespmem:v43+s31+$0x0] =	vst.idx.msk $0xffff, v48  }
0xe8: {  	v12 =	vadd.f32 v62, v12;
	v56 =	vor.u32 $0x1C, v2;
	v55 =	vmul.f32 $5.000000070e-02, v11;
	[tilespmem:v45+s31+$0x0] =	vst.idx.msk $0xffff, v50  }
0xe9: {  	v57 =	vadd.f32 v33, v18;
	v59 =	vor.u32 $0x1D, v2;
	v58 =	vmul.f32 $5.000000070e-02, v52;
	[tilespmem:v47+s31+$0x0] =	vst.idx.msk $0xffff, v53  }
0xea: {  	s7 =	sadd.s32 $0x1, s7;
	v62 =	vor.u32 $0x1E, v2;
	v61 =	vmul.f32 $5.000000070e-02, v12;
	v60 =	vadd.f32 v37, v17;
	[tilespmem:v49+s31+$0x0] =	vst.idx.msk $0xffff, v55  }
0xeb: {  	p0 =	sne.s32 s7, $0x20;
	v1 =	vadd.f32 v1, v3;
	v2 =	vor.u32 $0x1F, v2;
	v3 =	vmul.f32 $5.000000070e-02, v57;
	[tilespmem:v51+s31+$0x0] =	vst.idx.msk $0xffff, v58  }
.Ltmp2:
0xec: {  	v4 =	vadd.f32 v36, v4;
	v63 =	vmul.f32 $5.000000070e-02, v60;
	[tilespmem:v54+s31+$0x0] =	vst.idx.msk $0xffff, v61;
	(pc) =	sbr.rel @p0 .LBB2_2-.Ltmp2, $4  }
0xed: {  	v1 =	vmul.f32 $5.000000070e-02, v1;
	[tilespmem:v56+s31+$0x0] =	vst.idx.msk $0xffff, v3  }
0xee: {  	v3 =	vmul.f32 $5.000000070e-02, v4;
	[tilespmem:v59+s31+$0x0] =	vst.idx.msk $0xffff, v63  }
0xef: {  	[tilespmem:v62+s31+$0x0] =	vst.idx.msk $0xffff, v1  }
0xf0: {  	s30 =	sadd.s32 $0x10, s30;
	[tilespmem:v2+s31+$0x0] =	vst.idx.msk $0xffff, v3  }
0xf1: {  	_ =	swait.ge [sflag:s26], $0x1000  }
0xf2: {  	[sflag:s26] =	ssyncset.done $0x0  }
0xf3: {  	[sflag:s26] =	ssyncadd.s32 $0xFFFFF000  }
0xf4: {  	_ =	swait.ge [sflag:s26], $0x1000  }
0xf5: {  	[sflag:s26] =	ssyncset.done $0x0  }
0xf6: {  	[sflag:s26] =	ssyncadd.s32 $0xFFFFF000  }
0xf7: {  	_ =	swait.ge [sflag:s26], $0x1000  }
0xf8: {  	[sflag:s26] =	ssyncset.done $0x0  }
0xf9: {  	[sflag:s26] =	ssyncadd.s32 $0xFFFFF000  }
0xfa: {  	_ =	swait.ge [sflag:s26], $0x1000  }
0xfb: {  	[sflag:s26] =	ssyncset.done $0x0  }
0xfc: {  	[sflag:s26] =	ssyncadd.s32 $0xFFFFF000  }
0xfd: {  	_ =	swait.ge [sflag:s26], $0x1000  }
0xfe: {  	[sflag:s26] =	ssyncset.done $0x0  }
0xff: {  	[sflag:s26] =	ssyncadd.s32 $0xFFFFF000  }
0x100: {  	_ =	swait.ge [sflag:s26], $0x1000  }
0x101: {  	[sflag:s26] =	ssyncset.done $0x0  }
0x102: {  	[sflag:s26] =	ssyncadd.s32 $0xFFFFF000  }
0x103: {  	_ =	swait.ge [sflag:s26], $0x1000  }
0x104: {  	[sflag:s26] =	ssyncset.done $0x0  }
0x105: {  	[sflag:s26] =	ssyncadd.s32 $0xFFFFF000  }
0x106: {  	_ =	swait.ge [sflag:s26], $0x1000  }
0x107: {  	[sflag:s26] =	ssyncset.done $0x0  }
0x108: {  	[sflag:s26] =	ssyncadd.s32 $0xFFFFF000  }
0x109: {  	_ =	swait.ge [sflag:s26], $0x1000  }
0x10a: {  	[sflag:s26] =	ssyncset.done $0x0  }
0x10b: {  	[sflag:s26] =	ssyncadd.s32 $0xFFFFF000  }
0x10c: {  	_ =	swait.ge [sflag:s26], $0x1000  }
0x10d: {  	[sflag:s26] =	ssyncset.done $0x0  }
0x10e: {  	[sflag:s26] =	ssyncadd.s32 $0xFFFFF000  }
0x10f: {  	_ =	swait.ge [sflag:s26], $0x1000  }
0x110: {  	[sflag:s26] =	ssyncset.done $0x0  }
0x111: {  	[sflag:s26] =	ssyncadd.s32 $0xFFFFF000  }
0x112: {  	_ =	swait.ge [sflag:s26], $0x1000  }
0x113: {  	[sflag:s26] =	ssyncset.done $0x0  }
0x114: {  	[sflag:s26] =	ssyncadd.s32 $0xFFFFF000  }
0x115: {  	_ =	swait.ge [sflag:s26], $0x1000  }
0x116: {  	[sflag:s26] =	ssyncset.done $0x0  }
0x117: {  	[sflag:s26] =	ssyncadd.s32 $0xFFFFF000  }
0x118: {  	_ =	swait.ge [sflag:s26], $0x1000  }
0x119: {  	[sflag:s26] =	ssyncset.done $0x0  }
0x11a: {  	[sflag:s26] =	ssyncadd.s32 $0xFFFFF000  }
0x11b: {  	_ =	swait.ge [sflag:s26], $0x1000  }
0x11c: {  	[sflag:s26] =	ssyncset.done $0x0  }
0x11d: {  	[sflag:s26] =	ssyncadd.s32 $0xFFFFF000  }
0x11e: {  	_ =	swait.ge [sflag:s26], $0x1000  }
0x11f: {  	[sflag:s26] =	ssyncset.done $0x0  }
0x120: {  	[sflag:s26] =	ssyncadd.s32 $0xFFFFF000  }
0x121: {  	[hbm4b:s13+s2] =	stream.linear.scatter [tilespmem:s25], [sflag:$0x2], $0x4000, $0x38;
	[tilespmem:$0x1ED00] =	vst v63  }
0x122: {  	_ =	swait.ge [sflag:s19], $0x4000  }
0x123: {  	[sflag:s19] =	ssyncset.done $0x0  }
0x124: {  	[sflag:s19] =	ssyncadd.s32 $0xFFFFC000  }
0x125: {  	[hbm4b:s14+s2] =	stream.linear.scatter [tilespmem:s1], [sflag:$0x2], $0x4000, $0x38;
	[tilespmem:$0x1ED00] =	vst v63  }
0x126: {  	_ =	swait.ge [sflag:s19], $0x4000  }
0x127: {  	[sflag:s19] =	ssyncset.done $0x0  }
0x128: {  	[sflag:s19] =	ssyncadd.s32 $0xFFFFC000  }
0x129: {  	[hbm4b:s15+s2] =	stream.linear.scatter [tilespmem:s0], [sflag:$0x2], $0x4000, $0x38;
	[tilespmem:$0x1ED00] =	vst v63  }
0x12a: {  	_ =	swait.ge [sflag:s19], $0x4000  }
0x12b: {  	[sflag:s19] =	ssyncset.done $0x0  }
0x12c: {  	[sflag:s19] =	ssyncadd.s32 $0xFFFFC000  }
0x12d: {  	[hbm4b:s16+s2] =	stream.linear.scatter [tilespmem:s31], [sflag:$0x2], $0x4000, $0x38;
	[tilespmem:$0x1ED00] =	vst v63  }
0x12e: {  	s29 =	sadd.s32 $0x1, s29;
	_ =	swait.ge [sflag:s19], $0x4000  }
0x12f: {  	p0 =	sne.s32 s29, s18;
	[sflag:s19] =	ssyncset.done $0x0  }
.Ltmp3:
0x130: {  	[sflag:s19] =	ssyncadd.s32 $0xFFFFC000;
	(pc) =	sbr.rel @p0 .LBB2_1-.Ltmp3, $4  }
0x131: {  	[hbm4b:s17+s2] =	stream.linear.scatter [tilespmem:s28], [sflag:$0x2], $0x4000, $0x38;
	[tilespmem:$0x1ED00] =	vst v63  }
0x132: {  	_ =	swait.ge [sflag:s19], $0x4000  }
0x133: {  	[sflag:s19] =	ssyncset.done $0x0  }
0x134: {  	[sflag:s19] =	ssyncadd.s32 $0xFFFFC000  }
0x135: {  	_ =	sfence.sel $0x180000  }
0x136: {  	[bflag:$0x0] =	sbarrier.arrive $0xFFFF  }
0x137: {  	_ =	strace $0x90000047  }
0x138: {  	s0 =	stileid.u32;
	[bflag:$0x2] =	sbarrier.arrive $0xFFFF  }
0x139: {  	p0 =	sne.s32 s0, $0x0;
	s0 =	rddreg [dreg:$0x5]  }
0x13a: {  	s0 =	sadd.s32 @!p0 $0x100000, s0  }
0x13b: {  	[sflag:s0] =	ssyncadd.tile.s32 @!p0 $0x1;
	_ =	shalt  }
.Lfunc_end2:
_tile_overlayer_lowered:
.L_overlay_start_2:
0x13c: {  	(tag) =	ssettag $0x2  }
0x13d: {  	s0 =	rddreg [dreg:$0x0];
	s2 =	stileid.u32  }
0x13e: {  	s1 =	rddreg [dreg:$0x1];
	p0 =	sne.s32 s2, $0x0  }
0x13f: {  	s3 =	rddreg [dreg:$0x2];
	[bflag:$0x3] =	sbarrier.arrive $0xFFFF;
	s2 =	simm.s32 @!p0 $0x1C02  }
0x140: {  	[timem:s3], [sflag:s2] =	dma.local @!p0 [hbm:s0], s1  }
0x141: {  	s0 =	simm.s32 @!p0 $0x2  }
0x142: {  	_ =	swait.ge @!p0 [sflag:s0], s1  }
0x143: {  	s1 =	ssub.s32 @!p0 $0x0, s1;
	[sflag:s0] =	ssyncset.done @!p0 $0x0  }
0x144: {  	[sflag:s0] =	ssyncadd.s32 @!p0 s1  }
0x145: {  	[bflag:$0x3] =	sbarrier.arrive $0xFFFF  }
0x146: {  	_ =	shalt  }

</sc_bundles>
